<compile_context>
chip_gen: v7x
topology: tpu7x:2x2x1
jax: 0.10.2.dev20260603
libtpu: 0.0.44.dev20260713+nightly
codegen_flags: <defaults>
</compile_context>

<pallas_src>
import functools

import jax
import jax.numpy as jnp
from jax import lax
from jax.experimental import pallas as pl
from jax.experimental.pallas import tpu as pltpu
from jax.experimental.pallas import tpu_sc as plsc

NUM_NODES = 1000000
B = 4096
D = 64
GR = 32
LB = 8192
PG = NUM_NODES // LB + 1
NG_PAD = PG * (LB // GR)
NC = 2
NS = 16
NW = NC * NS
B_PER_W = B // NW
CH = 32


def _pack_body(wt_ref, ct_ref, wout_ref, cout_ref):
    def one(xt_ref, out_ref):
        yb = xt_ref[...].astype(jnp.bfloat16)
        y = lax.transpose(yb, (1, 0))
        wt = pltpu.bitcast(y, jnp.int32)
        w4 = wt.reshape(LB // GR, 8, 2, D)
        out_ref[:, :, 0:64] = w4[:, :, 0, :]
        out_ref[:, :, 64:128] = w4[:, :, 1, :]

    one(wt_ref, wout_ref)
    one(ct_ref, cout_ref)


_pack = pl.pallas_call(
    _pack_body,
    grid=(PG,),
    in_specs=[
        pl.BlockSpec((D, LB), lambda i: (0, i)),
        pl.BlockSpec((D, LB), lambda i: (0, i)),
    ],
    out_specs=[
        pl.BlockSpec((LB // GR, 8, 128), lambda i: (i, 0, 0)),
        pl.BlockSpec((LB // GR, 8, 128), lambda i: (i, 0, 0)),
    ],
    out_shape=[
        jax.ShapeDtypeStruct((NG_PAD, 8, 128), jnp.int32),
        jax.ShapeDtypeStruct((NG_PAD, 8, 128), jnp.int32),
    ],
)


_sc_mesh = plsc.VectorSubcoreMesh(core_axis_name="c", subcore_axis_name="s")


@functools.partial(
    pl.kernel,
    mesh=_sc_mesh,
    out_type=[
        jax.ShapeDtypeStruct((B, 8, 128), jnp.int32),
        jax.ShapeDtypeStruct((B, 8, 128), jnp.int32),
    ],
    scratch_types=[
        pltpu.VMEM((B_PER_W,), jnp.int32),
        pltpu.VMEM((B_PER_W,), jnp.int32),
        pltpu.VMEM((CH, 8, 128), jnp.int32),
        pltpu.VMEM((CH, 8, 128), jnp.int32),
        pltpu.SemaphoreType.DMA,
        pltpu.SemaphoreType.DMA,
    ],
)
def _sc_gather2(gw_hbm, gc_hbm, wtab_hbm, ctab_hbm, ew_hbm, ec_hbm,
                idx_w, idx_c, rows_w, rows_c, sem_w, sem_c):
    wid = lax.axis_index("s") * NC + lax.axis_index("c")
    base = wid * B_PER_W
    pltpu.sync_copy(gw_hbm.at[pl.ds(base, B_PER_W)], idx_w)
    pltpu.sync_copy(gc_hbm.at[pl.ds(base, B_PER_W)], idx_c)
    for h in range(B_PER_W // CH):
        cp_w = pltpu.async_copy(
            wtab_hbm.at[idx_w.at[pl.ds(h * CH, CH)]], rows_w, sem_w)
        cp_c = pltpu.async_copy(
            ctab_hbm.at[idx_c.at[pl.ds(h * CH, CH)]], rows_c, sem_c)
        cp_w.wait()
        cp_c.wait()
        pltpu.sync_copy(rows_w, ew_hbm.at[pl.ds(base + h * CH, CH)])
        pltpu.sync_copy(rows_c, ec_hbm.at[pl.ds(base + h * CH, CH)])


SB = 512


def _sel_body(ew32_ref, ec32_ref, selw_ref, selc_ref, ew_ref, ec_ref):
    lgrp = 2 * (lax.broadcasted_iota(jnp.int32, (SB, 128), 1) // 64)

    def pick(x_ref, sel_ref):
        sel = sel_ref[...]
        acc = jnp.zeros((SB, 128), jnp.float32)
        hi_mask = jnp.int32(-65536)
        for u in range(8):
            y = x_ref[:, u, :]
            f_lo = lax.bitcast_convert_type(
                lax.shift_left(y, 16), jnp.float32)
            f_hi = lax.bitcast_convert_type(
                lax.bitwise_and(y, hi_mask), jnp.float32)
            q = 4 * u + lgrp
            m_lo = (sel == q).astype(jnp.float32)
            m_hi = (sel == (q + 1)).astype(jnp.float32)
            acc += f_lo * m_lo + f_hi * m_hi
        return acc[:, 0:64] + acc[:, 64:128]

    ew_ref[...] = pick(ew32_ref, selw_ref)
    ec_ref[...] = pick(ec32_ref, selc_ref)


_select = pl.pallas_call(
    _sel_body,
    grid=(B // SB,),
    in_specs=[
        pl.BlockSpec((SB, 8, 128), lambda i: (i, 0, 0)),
        pl.BlockSpec((SB, 8, 128), lambda i: (i, 0, 0)),
        pl.BlockSpec((SB, 1), lambda i: (i, 0)),
        pl.BlockSpec((SB, 1), lambda i: (i, 0)),
    ],
    out_specs=[
        pl.BlockSpec((SB, D), lambda i: (i, 0)),
        pl.BlockSpec((SB, D), lambda i: (i, 0)),
    ],
    out_shape=[
        jax.ShapeDtypeStruct((B, D), jnp.float32),
        jax.ShapeDtypeStruct((B, D), jnp.float32),
    ],
)


CB = 512


def _score_body(ec_ref, ew_ref, o_ref):
    i = pl.program_id(0)
    s = lax.dot_general(
        ec_ref[...], ew_ref[...],
        dimension_numbers=(((1,), (1,)), ((), ())),
        preferred_element_type=jnp.float32,
    )
    val = jnp.sum(jnp.maximum(-s, 0.0) + jnp.log1p(jnp.exp(-jnp.abs(s))))

    @pl.when(i == 0)
    def _init():
        o_ref[0, 0] = 0.0

    o_ref[0, 0] += val


_score = pl.pallas_call(
    _score_body,
    grid=(B // CB,),
    in_specs=[
        pl.BlockSpec((CB, D), lambda i: (i, 0)),
        pl.BlockSpec((B, D), lambda i: (0, 0)),
    ],
    out_specs=pl.BlockSpec(
        (1, 1), lambda i: (0, 0), memory_space=pltpu.SMEM),
    out_shape=jax.ShapeDtypeStruct((1, 1), jnp.float32),
)


def kernel(node, context_positions, word_embedding, context_embedding):
    wtab, ctab = _pack(word_embedding.T, context_embedding.T)
    g_w = node // GR
    g_c = context_positions // GR
    sel_w = (node % GR).reshape(B, 1)
    sel_c = (context_positions % GR).reshape(B, 1)
    ew32, ec32 = _sc_gather2(g_w, g_c, wtab, ctab)
    embed_word, embed_context = _select(ew32, ec32, sel_w, sel_c)
    obj = _score(embed_context, embed_word)
    return obj[0, 0]

# --- scband reference (transcript-rebuilt; emitter-appended) ---
"""Pipeline reference for scband-skip-gram-17093969838125 (READ-ONLY COPY).

The authoritative reference and input builder live on the scoring server;
editing this copy changes nothing except your own understanding.
"""

import jax, jax.numpy as jnp
import numpy as np

NUM_NODES = 1000000
DIM = 64
B = 4096

def _xavier_uniform(key, shape):
    fan_in, fan_out = shape[1], shape[0]
    a = jnp.sqrt(6.0 / (fan_in + fan_out))
    return jax.random.uniform(key, shape, dtype=jnp.float32, minval=-a, maxval=a)

def setup_inputs(seed: int = 0) -> dict:
    key = jax.random.key(seed)
    k1, k2, k3, k4 = jax.random.split(key, 4)
    node = jax.random.randint(k1, (B,), 0, NUM_NODES, dtype=jnp.int64 if jax.config.jax_enable_x64 else jnp.int32).astype(jnp.int32)
    context_positions = jax.random.randint(k2, (B,), 0, NUM_NODES, dtype=jnp.int32)
    word_embedding = _xavier_uniform(k3, (NUM_NODES, DIM))
    context_embedding = _xavier_uniform(k4, (NUM_NODES, DIM))
    return {
        'node': node,
        'context_positions': context_positions,
        'word_embedding': word_embedding,
        'context_embedding': context_embedding,
    }

def reference(node, context_positions, word_embedding, context_embedding):
    # embedding lookups (gather)
    embed_word = jnp.take(word_embedding, node, axis=0)          # [B, D]
    embed_context = jnp.take(context_embedding, context_positions, axis=0)  # [C, D]
    # score = context @ word^T -> [C, B]
    score = jnp.matmul(embed_context, embed_word.T)
    # neg_sample=False path
    obj = -1.0 * jnp.sum(jax.nn.log_sigmoid(score))
    return obj

if __name__ == "__main__":
    import jax
    _d = setup_inputs()
    print(jax.jit(kernel)(*tuple(_d.values())))

</pallas_src>

<mosaic_0001>
#map = affine_map<(d0, d1) -> (0)>
#map1 = affine_map<(d0, d1) -> (0, 0, 0)>
module attributes {stable_mosaic.version = 14 : i64} {
  func.func @_sc_gather2(%arg0: i32, %arg1: i32, %arg2: memref<4096xi32, #tpu.memory_space<hbm>>, %arg3: memref<4096xi32, #tpu.memory_space<hbm>>, %arg4: memref<31488x8x128xi32, #tpu.memory_space<hbm>>, %arg5: memref<31488x8x128xi32, #tpu.memory_space<hbm>>, %arg6: memref<4096x8x128xi32, #tpu.memory_space<hbm>>, %arg7: memref<4096x8x128xi32, #tpu.memory_space<hbm>>, %arg8: memref<128xi32, #tpu.memory_space<vmem>>, %arg9: memref<128xi32, #tpu.memory_space<vmem>>, %arg10: memref<32x8x128xi32, #tpu.memory_space<vmem>>, %arg11: memref<32x8x128xi32, #tpu.memory_space<vmem>>, %arg12: memref<!tpu.dma_semaphore, #tpu.memory_space<semaphore_mem>>, %arg13: memref<!tpu.dma_semaphore, #tpu.memory_space<semaphore_mem>>) attributes {dimension_semantics = [#tpu.dimension_semantics<core_parallel>, #tpu.dimension_semantics<subcore_parallel>], iteration_bounds = array<i64: 2, 16>, scalar_prefetch = 0 : i64, scratch_operands = 6 : i64, tpu.core_type = #tpu.core_type<sc_vector_subcore>, window_params = [{transform_indices = #map}, {transform_indices = #map}, {transform_indices = #map1}, {transform_indices = #map1}, {transform_indices = #map1}, {transform_indices = #map1}]} {
    %mul3A = arith.constant 2 : i32
    %mul3A_0 = arith.muli %arg1, %mul3A : i32
    %add3A = arith.addi %mul3A_0, %arg0 : i32
    %mul3A_1 = arith.constant 128 : i32
    %mul3A_2 = arith.muli %add3A, %mul3A_1 : i32
    "tpu.region"() ({
      %run_scoped3A = tpu.sem_alloc : memref<!tpu.dma_semaphore, #tpu.memory_space<semaphore_mem>>
      %dma_start3A_113 = tpu.memref_slice %arg2[%mul3A_2] : memref<4096xi32, #tpu.memory_space<hbm>> -> memref<128xi32, #tpu.memory_space<hbm>>
      %dma_start3A_114 = tpu.memref_slice %arg2[%mul3A_2] : memref<4096xi32, #tpu.memory_space<hbm>> -> memref<128xi32, #tpu.memory_space<hbm>>
      tpu.enqueue_dma source(%dma_start3A_114 : memref<128xi32, #tpu.memory_space<hbm>>) target(%arg8 : memref<128xi32, #tpu.memory_space<vmem>>) target_semaphore(%run_scoped3A : memref<!tpu.dma_semaphore, #tpu.memory_space<semaphore_mem>>)
      %dma_wait3A_115 = tpu.memref_slice %arg2[%mul3A_2] : memref<4096xi32, #tpu.memory_space<hbm>> -> memref<128xi32, #tpu.memory_space<hbm>>
      %dma_wait3A_116 = tpu.memref_slice %arg2[%mul3A_2] : memref<4096xi32, #tpu.memory_space<hbm>> -> memref<128xi32, #tpu.memory_space<hbm>>
      tpu.wait_dma2 semaphore(%run_scoped3A : memref<!tpu.dma_semaphore, #tpu.memory_space<semaphore_mem>>) src(%dma_wait3A_116 : memref<128xi32, #tpu.memory_space<hbm>>) dst(%arg8 : memref<128xi32, #tpu.memory_space<vmem>>)
      tpu.yield
    }) : () -> ()
    "tpu.region"() ({
      %run_scoped3A = tpu.sem_alloc : memref<!tpu.dma_semaphore, #tpu.memory_space<semaphore_mem>>
      %dma_start3A_113 = tpu.memref_slice %arg3[%mul3A_2] : memref<4096xi32, #tpu.memory_space<hbm>> -> memref<128xi32, #tpu.memory_space<hbm>>
      %dma_start3A_114 = tpu.memref_slice %arg3[%mul3A_2] : memref<4096xi32, #tpu.memory_space<hbm>> -> memref<128xi32, #tpu.memory_space<hbm>>
      tpu.enqueue_dma source(%dma_start3A_114 : memref<128xi32, #tpu.memory_space<hbm>>) target(%arg9 : memref<128xi32, #tpu.memory_space<vmem>>) target_semaphore(%run_scoped3A : memref<!tpu.dma_semaphore, #tpu.memory_space<semaphore_mem>>)
      %dma_wait3A_115 = tpu.memref_slice %arg3[%mul3A_2] : memref<4096xi32, #tpu.memory_space<hbm>> -> memref<128xi32, #tpu.memory_space<hbm>>
      %dma_wait3A_116 = tpu.memref_slice %arg3[%mul3A_2] : memref<4096xi32, #tpu.memory_space<hbm>> -> memref<128xi32, #tpu.memory_space<hbm>>
      tpu.wait_dma2 semaphore(%run_scoped3A : memref<!tpu.dma_semaphore, #tpu.memory_space<semaphore_mem>>) src(%dma_wait3A_116 : memref<128xi32, #tpu.memory_space<hbm>>) dst(%arg9 : memref<128xi32, #tpu.memory_space<vmem>>)
      tpu.yield
    }) : () -> ()
    %dma_start3A = arith.constant 0 : i32
    %dma_start3A_3 = tpu.memref_slice %arg8[%dma_start3A] : memref<128xi32, #tpu.memory_space<vmem>> -> memref<32xi32, #tpu.memory_space<vmem>>
    %dma_start3A_4 = arith.constant 0 : i32
    %dma_start3A_5 = arith.constant 0 : i32
    %dma_start3A_6 = arith.constant 0 : i32
    %dma_start3A_7 = tpu.memref_slice %arg4[%dma_start3A_4, %dma_start3A_5, %dma_start3A_6] : memref<31488x8x128xi32, #tpu.memory_space<hbm>> -> memref<31488x8x128xi32, #tpu.memory_space<hbm>>
    tpu.enqueue_indirect_dma source(%dma_start3A_7 : memref<31488x8x128xi32, #tpu.memory_space<hbm>>) target(%arg10 : memref<32x8x128xi32, #tpu.memory_space<vmem>>) offsets(%dma_start3A_3 : memref<32xi32, #tpu.memory_space<vmem>>) semaphore(%arg12 : memref<!tpu.dma_semaphore, #tpu.memory_space<semaphore_mem>>)
    %dma_start3A_8 = arith.constant 0 : i32
    %dma_start3A_9 = tpu.memref_slice %arg9[%dma_start3A_8] : memref<128xi32, #tpu.memory_space<vmem>> -> memref<32xi32, #tpu.memory_space<vmem>>
    %dma_start3A_10 = arith.constant 0 : i32
    %dma_start3A_11 = arith.constant 0 : i32
    %dma_start3A_12 = arith.constant 0 : i32
    %dma_start3A_13 = tpu.memref_slice %arg5[%dma_start3A_10, %dma_start3A_11, %dma_start3A_12] : memref<31488x8x128xi32, #tpu.memory_space<hbm>> -> memref<31488x8x128xi32, #tpu.memory_space<hbm>>
    tpu.enqueue_indirect_dma source(%dma_start3A_13 : memref<31488x8x128xi32, #tpu.memory_space<hbm>>) target(%arg11 : memref<32x8x128xi32, #tpu.memory_space<vmem>>) offsets(%dma_start3A_9 : memref<32xi32, #tpu.memory_space<vmem>>) semaphore(%arg13 : memref<!tpu.dma_semaphore, #tpu.memory_space<semaphore_mem>>)
    %dma_wait3A = arith.constant 0 : i32
    %dma_wait3A_14 = tpu.memref_slice %arg8[%dma_wait3A] : memref<128xi32, #tpu.memory_space<vmem>> -> memref<32xi32, #tpu.memory_space<vmem>>
    %dma_wait3A_15 = arith.constant 0 : i32
    %dma_wait3A_16 = arith.constant 0 : i32
    %dma_wait3A_17 = arith.constant 0 : i32
    %dma_wait3A_18 = tpu.memref_slice %arg4[%dma_wait3A_15, %dma_wait3A_16, %dma_wait3A_17] : memref<31488x8x128xi32, #tpu.memory_space<hbm>> -> memref<31488x8x128xi32, #tpu.memory_space<hbm>>
    tpu.wait_indirect_dma semaphore(%arg12 : memref<!tpu.dma_semaphore, #tpu.memory_space<semaphore_mem>>) src(%dma_wait3A_18 : memref<31488x8x128xi32, #tpu.memory_space<hbm>>) dst(%arg10 : memref<32x8x128xi32, #tpu.memory_space<vmem>>)
    %dma_wait3A_19 = arith.constant 0 : i32
    %dma_wait3A_20 = tpu.memref_slice %arg9[%dma_wait3A_19] : memref<128xi32, #tpu.memory_space<vmem>> -> memref<32xi32, #tpu.memory_space<vmem>>
    %dma_wait3A_21 = arith.constant 0 : i32
    %dma_wait3A_22 = arith.constant 0 : i32
    %dma_wait3A_23 = arith.constant 0 : i32
    %dma_wait3A_24 = tpu.memref_slice %arg5[%dma_wait3A_21, %dma_wait3A_22, %dma_wait3A_23] : memref<31488x8x128xi32, #tpu.memory_space<hbm>> -> memref<31488x8x128xi32, #tpu.memory_space<hbm>>
    tpu.wait_indirect_dma semaphore(%arg13 : memref<!tpu.dma_semaphore, #tpu.memory_space<semaphore_mem>>) src(%dma_wait3A_24 : memref<31488x8x128xi32, #tpu.memory_space<hbm>>) dst(%arg11 : memref<32x8x128xi32, #tpu.memory_space<vmem>>)
    %add3A_25 = arith.constant 0 : i32
    %add3A_26 = arith.addi %mul3A_2, %add3A_25 : i32
    "tpu.region"() ({
      %run_scoped3A = tpu.sem_alloc : memref<!tpu.dma_semaphore, #tpu.memory_space<semaphore_mem>>
      %dma_start3A_113 = arith.constant 0 : i32
      %dma_start3A_114 = arith.constant 0 : i32
      %dma_start3A_115 = tpu.memref_slice %arg6[%add3A_26, %dma_start3A_113, %dma_start3A_114] : memref<4096x8x128xi32, #tpu.memory_space<hbm>> -> memref<32x8x128xi32, #tpu.memory_space<hbm>>
      %dma_start3A_116 = arith.constant 0 : i32
      %dma_start3A_117 = arith.constant 0 : i32
      %dma_start3A_118 = tpu.memref_slice %arg6[%add3A_26, %dma_start3A_116, %dma_start3A_117] : memref<4096x8x128xi32, #tpu.memory_space<hbm>> -> memref<32x8x128xi32, #tpu.memory_space<hbm>>
      tpu.enqueue_dma source(%arg10 : memref<32x8x128xi32, #tpu.memory_space<vmem>>) target(%dma_start3A_118 : memref<32x8x128xi32, #tpu.memory_space<hbm>>) target_semaphore(%run_scoped3A : memref<!tpu.dma_semaphore, #tpu.memory_space<semaphore_mem>>)
      %dma_wait3A_119 = arith.constant 0 : i32
      %dma_wait3A_120 = arith.constant 0 : i32
      %dma_wait3A_121 = tpu.memref_slice %arg6[%add3A_26, %dma_wait3A_119, %dma_wait3A_120] : memref<4096x8x128xi32, #tpu.memory_space<hbm>> -> memref<32x8x128xi32, #tpu.memory_space<hbm>>
      %dma_wait3A_122 = arith.constant 0 : i32
      %dma_wait3A_123 = arith.constant 0 : i32
      %dma_wait3A_124 = tpu.memref_slice %arg6[%add3A_26, %dma_wait3A_122, %dma_wait3A_123] : memref<4096x8x128xi32, #tpu.memory_space<hbm>> -> memref<32x8x128xi32, #tpu.memory_space<hbm>>
      tpu.wait_dma2 semaphore(%run_scoped3A : memref<!tpu.dma_semaphore, #tpu.memory_space<semaphore_mem>>) src(%arg10 : memref<32x8x128xi32, #tpu.memory_space<vmem>>) dst(%dma_wait3A_124 : memref<32x8x128xi32, #tpu.memory_space<hbm>>)
      tpu.yield
    }) : () -> ()
    %add3A_27 = arith.constant 0 : i32
    %add3A_28 = arith.addi %mul3A_2, %add3A_27 : i32
    "tpu.region"() ({
      %run_scoped3A = tpu.sem_alloc : memref<!tpu.dma_semaphore, #tpu.memory_space<semaphore_mem>>
      %dma_start3A_113 = arith.constant 0 : i32
      %dma_start3A_114 = arith.constant 0 : i32
      %dma_start3A_115 = tpu.memref_slice %arg7[%add3A_28, %dma_start3A_113, %dma_start3A_114] : memref<4096x8x128xi32, #tpu.memory_space<hbm>> -> memref<32x8x128xi32, #tpu.memory_space<hbm>>
      %dma_start3A_116 = arith.constant 0 : i32
      %dma_start3A_117 = arith.constant 0 : i32
      %dma_start3A_118 = tpu.memref_slice %arg7[%add3A_28, %dma_start3A_116, %dma_start3A_117] : memref<4096x8x128xi32, #tpu.memory_space<hbm>> -> memref<32x8x128xi32, #tpu.memory_space<hbm>>
      tpu.enqueue_dma source(%arg11 : memref<32x8x128xi32, #tpu.memory_space<vmem>>) target(%dma_start3A_118 : memref<32x8x128xi32, #tpu.memory_space<hbm>>) target_semaphore(%run_scoped3A : memref<!tpu.dma_semaphore, #tpu.memory_space<semaphore_mem>>)
      %dma_wait3A_119 = arith.constant 0 : i32
      %dma_wait3A_120 = arith.constant 0 : i32
      %dma_wait3A_121 = tpu.memref_slice %arg7[%add3A_28, %dma_wait3A_119, %dma_wait3A_120] : memref<4096x8x128xi32, #tpu.memory_space<hbm>> -> memref<32x8x128xi32, #tpu.memory_space<hbm>>
      %dma_wait3A_122 = arith.constant 0 : i32
      %dma_wait3A_123 = arith.constant 0 : i32
      %dma_wait3A_124 = tpu.memref_slice %arg7[%add3A_28, %dma_wait3A_122, %dma_wait3A_123] : memref<4096x8x128xi32, #tpu.memory_space<hbm>> -> memref<32x8x128xi32, #tpu.memory_space<hbm>>
      tpu.wait_dma2 semaphore(%run_scoped3A : memref<!tpu.dma_semaphore, #tpu.memory_space<semaphore_mem>>) src(%arg11 : memref<32x8x128xi32, #tpu.memory_space<vmem>>) dst(%dma_wait3A_124 : memref<32x8x128xi32, #tpu.memory_space<hbm>>)
      tpu.yield
    }) : () -> ()
    %dma_start3A_29 = arith.constant 32 : i32
    %dma_start3A_30 = tpu.memref_slice %arg8[%dma_start3A_29] : memref<128xi32, #tpu.memory_space<vmem>> -> memref<32xi32, #tpu.memory_space<vmem>>
    %dma_start3A_31 = arith.constant 0 : i32
    %dma_start3A_32 = arith.constant 0 : i32
    %dma_start3A_33 = arith.constant 0 : i32
    %dma_start3A_34 = tpu.memref_slice %arg4[%dma_start3A_31, %dma_start3A_32, %dma_start3A_33] : memref<31488x8x128xi32, #tpu.memory_space<hbm>> -> memref<31488x8x128xi32, #tpu.memory_space<hbm>>
    tpu.enqueue_indirect_dma source(%dma_start3A_34 : memref<31488x8x128xi32, #tpu.memory_space<hbm>>) target(%arg10 : memref<32x8x128xi32, #tpu.memory_space<vmem>>) offsets(%dma_start3A_30 : memref<32xi32, #tpu.memory_space<vmem>>) semaphore(%arg12 : memref<!tpu.dma_semaphore, #tpu.memory_space<semaphore_mem>>)
    %dma_start3A_35 = arith.constant 32 : i32
    %dma_start3A_36 = tpu.memref_slice %arg9[%dma_start3A_35] : memref<128xi32, #tpu.memory_space<vmem>> -> memref<32xi32, #tpu.memory_space<vmem>>
    %dma_start3A_37 = arith.constant 0 : i32
    %dma_start3A_38 = arith.constant 0 : i32
    %dma_start3A_39 = arith.constant 0 : i32
    %dma_start3A_40 = tpu.memref_slice %arg5[%dma_start3A_37, %dma_start3A_38, %dma_start3A_39] : memref<31488x8x128xi32, #tpu.memory_space<hbm>> -> memref<31488x8x128xi32, #tpu.memory_space<hbm>>
    tpu.enqueue_indirect_dma source(%dma_start3A_40 : memref<31488x8x128xi32, #tpu.memory_space<hbm>>) target(%arg11 : memref<32x8x128xi32, #tpu.memory_space<vmem>>) offsets(%dma_start3A_36 : memref<32xi32, #tpu.memory_space<vmem>>) semaphore(%arg13 : memref<!tpu.dma_semaphore, #tpu.memory_space<semaphore_mem>>)
    %dma_wait3A_41 = arith.constant 32 : i32
    %dma_wait3A_42 = tpu.memref_slice %arg8[%dma_wait3A_41] : memref<128xi32, #tpu.memory_space<vmem>> -> memref<32xi32, #tpu.memory_space<vmem>>
    %dma_wait3A_43 = arith.constant 0 : i32
    %dma_wait3A_44 = arith.constant 0 : i32
    %dma_wait3A_45 = arith.constant 0 : i32
    %dma_wait3A_46 = tpu.memref_slice %arg4[%dma_wait3A_43, %dma_wait3A_44, %dma_wait3A_45] : memref<31488x8x128xi32, #tpu.memory_space<hbm>> -> memref<31488x8x128xi32, #tpu.memory_space<hbm>>
    tpu.wait_indirect_dma semaphore(%arg12 : memref<!tpu.dma_semaphore, #tpu.memory_space<semaphore_mem>>) src(%dma_wait3A_46 : memref<31488x8x128xi32, #tpu.memory_space<hbm>>) dst(%arg10 : memref<32x8x128xi32, #tpu.memory_space<vmem>>)
    %dma_wait3A_47 = arith.constant 32 : i32
    %dma_wait3A_48 = tpu.memref_slice %arg9[%dma_wait3A_47] : memref<128xi32, #tpu.memory_space<vmem>> -> memref<32xi32, #tpu.memory_space<vmem>>
    %dma_wait3A_49 = arith.constant 0 : i32
    %dma_wait3A_50 = arith.constant 0 : i32
    %dma_wait3A_51 = arith.constant 0 : i32
    %dma_wait3A_52 = tpu.memref_slice %arg5[%dma_wait3A_49, %dma_wait3A_50, %dma_wait3A_51] : memref<31488x8x128xi32, #tpu.memory_space<hbm>> -> memref<31488x8x128xi32, #tpu.memory_space<hbm>>
    tpu.wait_indirect_dma semaphore(%arg13 : memref<!tpu.dma_semaphore, #tpu.memory_space<semaphore_mem>>) src(%dma_wait3A_52 : memref<31488x8x128xi32, #tpu.memory_space<hbm>>) dst(%arg11 : memref<32x8x128xi32, #tpu.memory_space<vmem>>)
    %add3A_53 = arith.constant 32 : i32
    %add3A_54 = arith.addi %mul3A_2, %add3A_53 : i32
    "tpu.region"() ({
      %run_scoped3A = tpu.sem_alloc : memref<!tpu.dma_semaphore, #tpu.memory_space<semaphore_mem>>
      %dma_start3A_113 = arith.constant 0 : i32
      %dma_start3A_114 = arith.constant 0 : i32
      %dma_start3A_115 = tpu.memref_slice %arg6[%add3A_54, %dma_start3A_113, %dma_start3A_114] : memref<4096x8x128xi32, #tpu.memory_space<hbm>> -> memref<32x8x128xi32, #tpu.memory_space<hbm>>
      %dma_start3A_116 = arith.constant 0 : i32
      %dma_start3A_117 = arith.constant 0 : i32
      %dma_start3A_118 = tpu.memref_slice %arg6[%add3A_54, %dma_start3A_116, %dma_start3A_117] : memref<4096x8x128xi32, #tpu.memory_space<hbm>> -> memref<32x8x128xi32, #tpu.memory_space<hbm>>
      tpu.enqueue_dma source(%arg10 : memref<32x8x128xi32, #tpu.memory_space<vmem>>) target(%dma_start3A_118 : memref<32x8x128xi32, #tpu.memory_space<hbm>>) target_semaphore(%run_scoped3A : memref<!tpu.dma_semaphore, #tpu.memory_space<semaphore_mem>>)
      %dma_wait3A_119 = arith.constant 0 : i32
      %dma_wait3A_120 = arith.constant 0 : i32
      %dma_wait3A_121 = tpu.memref_slice %arg6[%add3A_54, %dma_wait3A_119, %dma_wait3A_120] : memref<4096x8x128xi32, #tpu.memory_space<hbm>> -> memref<32x8x128xi32, #tpu.memory_space<hbm>>
      %dma_wait3A_122 = arith.constant 0 : i32
      %dma_wait3A_123 = arith.constant 0 : i32
      %dma_wait3A_124 = tpu.memref_slice %arg6[%add3A_54, %dma_wait3A_122, %dma_wait3A_123] : memref<4096x8x128xi32, #tpu.memory_space<hbm>> -> memref<32x8x128xi32, #tpu.memory_space<hbm>>
      tpu.wait_dma2 semaphore(%run_scoped3A : memref<!tpu.dma_semaphore, #tpu.memory_space<semaphore_mem>>) src(%arg10 : memref<32x8x128xi32, #tpu.memory_space<vmem>>) dst(%dma_wait3A_124 : memref<32x8x128xi32, #tpu.memory_space<hbm>>)
      tpu.yield
    }) : () -> ()
    %add3A_55 = arith.constant 32 : i32
    %add3A_56 = arith.addi %mul3A_2, %add3A_55 : i32
    "tpu.region"() ({
      %run_scoped3A = tpu.sem_alloc : memref<!tpu.dma_semaphore, #tpu.memory_space<semaphore_mem>>
      %dma_start3A_113 = arith.constant 0 : i32
      %dma_start3A_114 = arith.constant 0 : i32
      %dma_start3A_115 = tpu.memref_slice %arg7[%add3A_56, %dma_start3A_113, %dma_start3A_114] : memref<4096x8x128xi32, #tpu.memory_space<hbm>> -> memref<32x8x128xi32, #tpu.memory_space<hbm>>
      %dma_start3A_116 = arith.constant 0 : i32
      %dma_start3A_117 = arith.constant 0 : i32
      %dma_start3A_118 = tpu.memref_slice %arg7[%add3A_56, %dma_start3A_116, %dma_start3A_117] : memref<4096x8x128xi32, #tpu.memory_space<hbm>> -> memref<32x8x128xi32, #tpu.memory_space<hbm>>
      tpu.enqueue_dma source(%arg11 : memref<32x8x128xi32, #tpu.memory_space<vmem>>) target(%dma_start3A_118 : memref<32x8x128xi32, #tpu.memory_space<hbm>>) target_semaphore(%run_scoped3A : memref<!tpu.dma_semaphore, #tpu.memory_space<semaphore_mem>>)
      %dma_wait3A_119 = arith.constant 0 : i32
      %dma_wait3A_120 = arith.constant 0 : i32
      %dma_wait3A_121 = tpu.memref_slice %arg7[%add3A_56, %dma_wait3A_119, %dma_wait3A_120] : memref<4096x8x128xi32, #tpu.memory_space<hbm>> -> memref<32x8x128xi32, #tpu.memory_space<hbm>>
      %dma_wait3A_122 = arith.constant 0 : i32
      %dma_wait3A_123 = arith.constant 0 : i32
      %dma_wait3A_124 = tpu.memref_slice %arg7[%add3A_56, %dma_wait3A_122, %dma_wait3A_123] : memref<4096x8x128xi32, #tpu.memory_space<hbm>> -> memref<32x8x128xi32, #tpu.memory_space<hbm>>
      tpu.wait_dma2 semaphore(%run_scoped3A : memref<!tpu.dma_semaphore, #tpu.memory_space<semaphore_mem>>) src(%arg11 : memref<32x8x128xi32, #tpu.memory_space<vmem>>) dst(%dma_wait3A_124 : memref<32x8x128xi32, #tpu.memory_space<hbm>>)
      tpu.yield
    }) : () -> ()
    %dma_start3A_57 = arith.constant 64 : i32
    %dma_start3A_58 = tpu.memref_slice %arg8[%dma_start3A_57] : memref<128xi32, #tpu.memory_space<vmem>> -> memref<32xi32, #tpu.memory_space<vmem>>
    %dma_start3A_59 = arith.constant 0 : i32
    %dma_start3A_60 = arith.constant 0 : i32
    %dma_start3A_61 = arith.constant 0 : i32
    %dma_start3A_62 = tpu.memref_slice %arg4[%dma_start3A_59, %dma_start3A_60, %dma_start3A_61] : memref<31488x8x128xi32, #tpu.memory_space<hbm>> -> memref<31488x8x128xi32, #tpu.memory_space<hbm>>
    tpu.enqueue_indirect_dma source(%dma_start3A_62 : memref<31488x8x128xi32, #tpu.memory_space<hbm>>) target(%arg10 : memref<32x8x128xi32, #tpu.memory_space<vmem>>) offsets(%dma_start3A_58 : memref<32xi32, #tpu.memory_space<vmem>>) semaphore(%arg12 : memref<!tpu.dma_semaphore, #tpu.memory_space<semaphore_mem>>)
    %dma_start3A_63 = arith.constant 64 : i32
    %dma_start3A_64 = tpu.memref_slice %arg9[%dma_start3A_63] : memref<128xi32, #tpu.memory_space<vmem>> -> memref<32xi32, #tpu.memory_space<vmem>>
    %dma_start3A_65 = arith.constant 0 : i32
    %dma_start3A_66 = arith.constant 0 : i32
    %dma_start3A_67 = arith.constant 0 : i32
    %dma_start3A_68 = tpu.memref_slice %arg5[%dma_start3A_65, %dma_start3A_66, %dma_start3A_67] : memref<31488x8x128xi32, #tpu.memory_space<hbm>> -> memref<31488x8x128xi32, #tpu.memory_space<hbm>>
    tpu.enqueue_indirect_dma source(%dma_start3A_68 : memref<31488x8x128xi32, #tpu.memory_space<hbm>>) target(%arg11 : memref<32x8x128xi32, #tpu.memory_space<vmem>>) offsets(%dma_start3A_64 : memref<32xi32, #tpu.memory_space<vmem>>) semaphore(%arg13 : memref<!tpu.dma_semaphore, #tpu.memory_space<semaphore_mem>>)
    %dma_wait3A_69 = arith.constant 64 : i32
    %dma_wait3A_70 = tpu.memref_slice %arg8[%dma_wait3A_69] : memref<128xi32, #tpu.memory_space<vmem>> -> memref<32xi32, #tpu.memory_space<vmem>>
    %dma_wait3A_71 = arith.constant 0 : i32
    %dma_wait3A_72 = arith.constant 0 : i32
    %dma_wait3A_73 = arith.constant 0 : i32
    %dma_wait3A_74 = tpu.memref_slice %arg4[%dma_wait3A_71, %dma_wait3A_72, %dma_wait3A_73] : memref<31488x8x128xi32, #tpu.memory_space<hbm>> -> memref<31488x8x128xi32, #tpu.memory_space<hbm>>
    tpu.wait_indirect_dma semaphore(%arg12 : memref<!tpu.dma_semaphore, #tpu.memory_space<semaphore_mem>>) src(%dma_wait3A_74 : memref<31488x8x128xi32, #tpu.memory_space<hbm>>) dst(%arg10 : memref<32x8x128xi32, #tpu.memory_space<vmem>>)
    %dma_wait3A_75 = arith.constant 64 : i32
    %dma_wait3A_76 = tpu.memref_slice %arg9[%dma_wait3A_75] : memref<128xi32, #tpu.memory_space<vmem>> -> memref<32xi32, #tpu.memory_space<vmem>>
    %dma_wait3A_77 = arith.constant 0 : i32
    %dma_wait3A_78 = arith.constant 0 : i32
    %dma_wait3A_79 = arith.constant 0 : i32
    %dma_wait3A_80 = tpu.memref_slice %arg5[%dma_wait3A_77, %dma_wait3A_78, %dma_wait3A_79] : memref<31488x8x128xi32, #tpu.memory_space<hbm>> -> memref<31488x8x128xi32, #tpu.memory_space<hbm>>
    tpu.wait_indirect_dma semaphore(%arg13 : memref<!tpu.dma_semaphore, #tpu.memory_space<semaphore_mem>>) src(%dma_wait3A_80 : memref<31488x8x128xi32, #tpu.memory_space<hbm>>) dst(%arg11 : memref<32x8x128xi32, #tpu.memory_space<vmem>>)
    %add3A_81 = arith.constant 64 : i32
    %add3A_82 = arith.addi %mul3A_2, %add3A_81 : i32
    "tpu.region"() ({
      %run_scoped3A = tpu.sem_alloc : memref<!tpu.dma_semaphore, #tpu.memory_space<semaphore_mem>>
      %dma_start3A_113 = arith.constant 0 : i32
      %dma_start3A_114 = arith.constant 0 : i32
      %dma_start3A_115 = tpu.memref_slice %arg6[%add3A_82, %dma_start3A_113, %dma_start3A_114] : memref<4096x8x128xi32, #tpu.memory_space<hbm>> -> memref<32x8x128xi32, #tpu.memory_space<hbm>>
      %dma_start3A_116 = arith.constant 0 : i32
      %dma_start3A_117 = arith.constant 0 : i32
      %dma_start3A_118 = tpu.memref_slice %arg6[%add3A_82, %dma_start3A_116, %dma_start3A_117] : memref<4096x8x128xi32, #tpu.memory_space<hbm>> -> memref<32x8x128xi32, #tpu.memory_space<hbm>>
      tpu.enqueue_dma source(%arg10 : memref<32x8x128xi32, #tpu.memory_space<vmem>>) target(%dma_start3A_118 : memref<32x8x128xi32, #tpu.memory_space<hbm>>) target_semaphore(%run_scoped3A : memref<!tpu.dma_semaphore, #tpu.memory_space<semaphore_mem>>)
      %dma_wait3A_119 = arith.constant 0 : i32
      %dma_wait3A_120 = arith.constant 0 : i32
      %dma_wait3A_121 = tpu.memref_slice %arg6[%add3A_82, %dma_wait3A_119, %dma_wait3A_120] : memref<4096x8x128xi32, #tpu.memory_space<hbm>> -> memref<32x8x128xi32, #tpu.memory_space<hbm>>
      %dma_wait3A_122 = arith.constant 0 : i32
      %dma_wait3A_123 = arith.constant 0 : i32
      %dma_wait3A_124 = tpu.memref_slice %arg6[%add3A_82, %dma_wait3A_122, %dma_wait3A_123] : memref<4096x8x128xi32, #tpu.memory_space<hbm>> -> memref<32x8x128xi32, #tpu.memory_space<hbm>>
      tpu.wait_dma2 semaphore(%run_scoped3A : memref<!tpu.dma_semaphore, #tpu.memory_space<semaphore_mem>>) src(%arg10 : memref<32x8x128xi32, #tpu.memory_space<vmem>>) dst(%dma_wait3A_124 : memref<32x8x128xi32, #tpu.memory_space<hbm>>)
      tpu.yield
    }) : () -> ()
    %add3A_83 = arith.constant 64 : i32
    %add3A_84 = arith.addi %mul3A_2, %add3A_83 : i32
    "tpu.region"() ({
      %run_scoped3A = tpu.sem_alloc : memref<!tpu.dma_semaphore, #tpu.memory_space<semaphore_mem>>
      %dma_start3A_113 = arith.constant 0 : i32
      %dma_start3A_114 = arith.constant 0 : i32
      %dma_start3A_115 = tpu.memref_slice %arg7[%add3A_84, %dma_start3A_113, %dma_start3A_114] : memref<4096x8x128xi32, #tpu.memory_space<hbm>> -> memref<32x8x128xi32, #tpu.memory_space<hbm>>
      %dma_start3A_116 = arith.constant 0 : i32
      %dma_start3A_117 = arith.constant 0 : i32
      %dma_start3A_118 = tpu.memref_slice %arg7[%add3A_84, %dma_start3A_116, %dma_start3A_117] : memref<4096x8x128xi32, #tpu.memory_space<hbm>> -> memref<32x8x128xi32, #tpu.memory_space<hbm>>
      tpu.enqueue_dma source(%arg11 : memref<32x8x128xi32, #tpu.memory_space<vmem>>) target(%dma_start3A_118 : memref<32x8x128xi32, #tpu.memory_space<hbm>>) target_semaphore(%run_scoped3A : memref<!tpu.dma_semaphore, #tpu.memory_space<semaphore_mem>>)
      %dma_wait3A_119 = arith.constant 0 : i32
      %dma_wait3A_120 = arith.constant 0 : i32
      %dma_wait3A_121 = tpu.memref_slice %arg7[%add3A_84, %dma_wait3A_119, %dma_wait3A_120] : memref<4096x8x128xi32, #tpu.memory_space<hbm>> -> memref<32x8x128xi32, #tpu.memory_space<hbm>>
      %dma_wait3A_122 = arith.constant 0 : i32
      %dma_wait3A_123 = arith.constant 0 : i32
      %dma_wait3A_124 = tpu.memref_slice %arg7[%add3A_84, %dma_wait3A_122, %dma_wait3A_123] : memref<4096x8x128xi32, #tpu.memory_space<hbm>> -> memref<32x8x128xi32, #tpu.memory_space<hbm>>
      tpu.wait_dma2 semaphore(%run_scoped3A : memref<!tpu.dma_semaphore, #tpu.memory_space<semaphore_mem>>) src(%arg11 : memref<32x8x128xi32, #tpu.memory_space<vmem>>) dst(%dma_wait3A_124 : memref<32x8x128xi32, #tpu.memory_space<hbm>>)
      tpu.yield
    }) : () -> ()
    %dma_start3A_85 = arith.constant 96 : i32
    %dma_start3A_86 = tpu.memref_slice %arg8[%dma_start3A_85] : memref<128xi32, #tpu.memory_space<vmem>> -> memref<32xi32, #tpu.memory_space<vmem>>
    %dma_start3A_87 = arith.constant 0 : i32
    %dma_start3A_88 = arith.constant 0 : i32
    %dma_start3A_89 = arith.constant 0 : i32
    %dma_start3A_90 = tpu.memref_slice %arg4[%dma_start3A_87, %dma_start3A_88, %dma_start3A_89] : memref<31488x8x128xi32, #tpu.memory_space<hbm>> -> memref<31488x8x128xi32, #tpu.memory_space<hbm>>
    tpu.enqueue_indirect_dma source(%dma_start3A_90 : memref<31488x8x128xi32, #tpu.memory_space<hbm>>) target(%arg10 : memref<32x8x128xi32, #tpu.memory_space<vmem>>) offsets(%dma_start3A_86 : memref<32xi32, #tpu.memory_space<vmem>>) semaphore(%arg12 : memref<!tpu.dma_semaphore, #tpu.memory_space<semaphore_mem>>)
    %dma_start3A_91 = arith.constant 96 : i32
    %dma_start3A_92 = tpu.memref_slice %arg9[%dma_start3A_91] : memref<128xi32, #tpu.memory_space<vmem>> -> memref<32xi32, #tpu.memory_space<vmem>>
    %dma_start3A_93 = arith.constant 0 : i32
    %dma_start3A_94 = arith.constant 0 : i32
    %dma_start3A_95 = arith.constant 0 : i32
    %dma_start3A_96 = tpu.memref_slice %arg5[%dma_start3A_93, %dma_start3A_94, %dma_start3A_95] : memref<31488x8x128xi32, #tpu.memory_space<hbm>> -> memref<31488x8x128xi32, #tpu.memory_space<hbm>>
    tpu.enqueue_indirect_dma source(%dma_start3A_96 : memref<31488x8x128xi32, #tpu.memory_space<hbm>>) target(%arg11 : memref<32x8x128xi32, #tpu.memory_space<vmem>>) offsets(%dma_start3A_92 : memref<32xi32, #tpu.memory_space<vmem>>) semaphore(%arg13 : memref<!tpu.dma_semaphore, #tpu.memory_space<semaphore_mem>>)
    %dma_wait3A_97 = arith.constant 96 : i32
    %dma_wait3A_98 = tpu.memref_slice %arg8[%dma_wait3A_97] : memref<128xi32, #tpu.memory_space<vmem>> -> memref<32xi32, #tpu.memory_space<vmem>>
    %dma_wait3A_99 = arith.constant 0 : i32
    %dma_wait3A_100 = arith.constant 0 : i32
    %dma_wait3A_101 = arith.constant 0 : i32
    %dma_wait3A_102 = tpu.memref_slice %arg4[%dma_wait3A_99, %dma_wait3A_100, %dma_wait3A_101] : memref<31488x8x128xi32, #tpu.memory_space<hbm>> -> memref<31488x8x128xi32, #tpu.memory_space<hbm>>
    tpu.wait_indirect_dma semaphore(%arg12 : memref<!tpu.dma_semaphore, #tpu.memory_space<semaphore_mem>>) src(%dma_wait3A_102 : memref<31488x8x128xi32, #tpu.memory_space<hbm>>) dst(%arg10 : memref<32x8x128xi32, #tpu.memory_space<vmem>>)
    %dma_wait3A_103 = arith.constant 96 : i32
    %dma_wait3A_104 = tpu.memref_slice %arg9[%dma_wait3A_103] : memref<128xi32, #tpu.memory_space<vmem>> -> memref<32xi32, #tpu.memory_space<vmem>>
    %dma_wait3A_105 = arith.constant 0 : i32
    %dma_wait3A_106 = arith.constant 0 : i32
    %dma_wait3A_107 = arith.constant 0 : i32
    %dma_wait3A_108 = tpu.memref_slice %arg5[%dma_wait3A_105, %dma_wait3A_106, %dma_wait3A_107] : memref<31488x8x128xi32, #tpu.memory_space<hbm>> -> memref<31488x8x128xi32, #tpu.memory_space<hbm>>
    tpu.wait_indirect_dma semaphore(%arg13 : memref<!tpu.dma_semaphore, #tpu.memory_space<semaphore_mem>>) src(%dma_wait3A_108 : memref<31488x8x128xi32, #tpu.memory_space<hbm>>) dst(%arg11 : memref<32x8x128xi32, #tpu.memory_space<vmem>>)
    %add3A_109 = arith.constant 96 : i32
    %add3A_110 = arith.addi %mul3A_2, %add3A_109 : i32
    "tpu.region"() ({
      %run_scoped3A = tpu.sem_alloc : memref<!tpu.dma_semaphore, #tpu.memory_space<semaphore_mem>>
      %dma_start3A_113 = arith.constant 0 : i32
      %dma_start3A_114 = arith.constant 0 : i32
      %dma_start3A_115 = tpu.memref_slice %arg6[%add3A_110, %dma_start3A_113, %dma_start3A_114] : memref<4096x8x128xi32, #tpu.memory_space<hbm>> -> memref<32x8x128xi32, #tpu.memory_space<hbm>>
      %dma_start3A_116 = arith.constant 0 : i32
      %dma_start3A_117 = arith.constant 0 : i32
      %dma_start3A_118 = tpu.memref_slice %arg6[%add3A_110, %dma_start3A_116, %dma_start3A_117] : memref<4096x8x128xi32, #tpu.memory_space<hbm>> -> memref<32x8x128xi32, #tpu.memory_space<hbm>>
      tpu.enqueue_dma source(%arg10 : memref<32x8x128xi32, #tpu.memory_space<vmem>>) target(%dma_start3A_118 : memref<32x8x128xi32, #tpu.memory_space<hbm>>) target_semaphore(%run_scoped3A : memref<!tpu.dma_semaphore, #tpu.memory_space<semaphore_mem>>)
      %dma_wait3A_119 = arith.constant 0 : i32
      %dma_wait3A_120 = arith.constant 0 : i32
      %dma_wait3A_121 = tpu.memref_slice %arg6[%add3A_110, %dma_wait3A_119, %dma_wait3A_120] : memref<4096x8x128xi32, #tpu.memory_space<hbm>> -> memref<32x8x128xi32, #tpu.memory_space<hbm>>
      %dma_wait3A_122 = arith.constant 0 : i32
      %dma_wait3A_123 = arith.constant 0 : i32
      %dma_wait3A_124 = tpu.memref_slice %arg6[%add3A_110, %dma_wait3A_122, %dma_wait3A_123] : memref<4096x8x128xi32, #tpu.memory_space<hbm>> -> memref<32x8x128xi32, #tpu.memory_space<hbm>>
      tpu.wait_dma2 semaphore(%run_scoped3A : memref<!tpu.dma_semaphore, #tpu.memory_space<semaphore_mem>>) src(%arg10 : memref<32x8x128xi32, #tpu.memory_space<vmem>>) dst(%dma_wait3A_124 : memref<32x8x128xi32, #tpu.memory_space<hbm>>)
      tpu.yield
    }) : () -> ()
    %add3A_111 = arith.constant 96 : i32
    %add3A_112 = arith.addi %mul3A_2, %add3A_111 : i32
    "tpu.region"() ({
      %run_scoped3A = tpu.sem_alloc : memref<!tpu.dma_semaphore, #tpu.memory_space<semaphore_mem>>
      %dma_start3A_113 = arith.constant 0 : i32
      %dma_start3A_114 = arith.constant 0 : i32
      %dma_start3A_115 = tpu.memref_slice %arg7[%add3A_112, %dma_start3A_113, %dma_start3A_114] : memref<4096x8x128xi32, #tpu.memory_space<hbm>> -> memref<32x8x128xi32, #tpu.memory_space<hbm>>
      %dma_start3A_116 = arith.constant 0 : i32
      %dma_start3A_117 = arith.constant 0 : i32
      %dma_start3A_118 = tpu.memref_slice %arg7[%add3A_112, %dma_start3A_116, %dma_start3A_117] : memref<4096x8x128xi32, #tpu.memory_space<hbm>> -> memref<32x8x128xi32, #tpu.memory_space<hbm>>
      tpu.enqueue_dma source(%arg11 : memref<32x8x128xi32, #tpu.memory_space<vmem>>) target(%dma_start3A_118 : memref<32x8x128xi32, #tpu.memory_space<hbm>>) target_semaphore(%run_scoped3A : memref<!tpu.dma_semaphore, #tpu.memory_space<semaphore_mem>>)
      %dma_wait3A_119 = arith.constant 0 : i32
      %dma_wait3A_120 = arith.constant 0 : i32
      %dma_wait3A_121 = tpu.memref_slice %arg7[%add3A_112, %dma_wait3A_119, %dma_wait3A_120] : memref<4096x8x128xi32, #tpu.memory_space<hbm>> -> memref<32x8x128xi32, #tpu.memory_space<hbm>>
      %dma_wait3A_122 = arith.constant 0 : i32
      %dma_wait3A_123 = arith.constant 0 : i32
      %dma_wait3A_124 = tpu.memref_slice %arg7[%add3A_112, %dma_wait3A_122, %dma_wait3A_123] : memref<4096x8x128xi32, #tpu.memory_space<hbm>> -> memref<32x8x128xi32, #tpu.memory_space<hbm>>
      tpu.wait_dma2 semaphore(%run_scoped3A : memref<!tpu.dma_semaphore, #tpu.memory_space<semaphore_mem>>) src(%arg11 : memref<32x8x128xi32, #tpu.memory_space<vmem>>) dst(%dma_wait3A_124 : memref<32x8x128xi32, #tpu.memory_space<hbm>>)
      tpu.yield
    }) : () -> ()
    return
  }
}

module attributes {stable_mosaic.version = 14 : i64} {
  func.func @_pack_body(%arg0: i32, %arg1: memref<64x8192xf32, #tpu.memory_space<vmem>>, %arg2: memref<64x8192xf32, #tpu.memory_space<vmem>>, %arg3: memref<256x8x128xi32, #tpu.memory_space<vmem>>, %arg4: memref<256x8x128xi32, #tpu.memory_space<vmem>>) attributes {dimension_semantics = [#tpu.dimension_semantics<arbitrary>], iteration_bounds = array<i64: 123>, scalar_prefetch = 0 : i64, scratch_operands = 0 : i64, tpu.core_type = #tpu.core_type<tc>, window_params = [{transform_indices = @transform_0, window_bounds = array<i64: 64, 8192>}, {transform_indices = @transform_1, window_bounds = array<i64: 64, 8192>}, {transform_indices = @transform_2, window_bounds = array<i64: 256, 8, 128>}, {transform_indices = @transform_3, window_bounds = array<i64: 256, 8, 128>}]} {
    %get3A = arith.constant 0 : index
    %get3A_0 = arith.constant 0 : index
    %get3A_1 = vector.load %arg1[%get3A, %get3A_0] : memref<64x8192xf32, #tpu.memory_space<vmem>>, vector<64x8192xf32>
    %convert_element_type3A = arith.truncf %get3A_1 : vector<64x8192xf32> to vector<64x8192xbf16>
    %transpose3A = tpu.transpose %convert_element_type3A, [1, 0] : vector<64x8192xbf16> -> vector<8192x64xbf16>
    %bitcast3A = tpu.bitcast %transpose3A : vector<8192x64xbf16> -> vector<4096x64xi32>
    %reshape3A = vector.shape_cast %bitcast3A : vector<4096x64xi32> to vector<256x8x2x64xi32>
    %slice3A = vector.extract_strided_slice %reshape3A {offsets = [0, 0, 0, 0], sizes = [256, 8, 1, 64], strides = [1, 1, 1, 1]} : vector<256x8x2x64xi32> to vector<256x8x1x64xi32>
    %squeeze3A = vector.shape_cast %slice3A : vector<256x8x1x64xi32> to vector<256x8x64xi32>
    %swap3A = arith.constant 0 : index
    %swap3A_2 = arith.constant 0 : index
    %swap3A_3 = arith.constant 0 : index
    %swap3A_4 = vector.load %arg3[%swap3A, %swap3A_2, %swap3A_3] : memref<256x8x128xi32, #tpu.memory_space<vmem>>, vector<256x8x64xi32>
    tpu.vector_store %arg3[%swap3A, %swap3A_2, %swap3A_3], %squeeze3A {strides = array<i32>} : memref<256x8x128xi32, #tpu.memory_space<vmem>>, vector<256x8x64xi32>,
    %slice3A_5 = vector.extract_strided_slice %reshape3A {offsets = [0, 0, 1, 0], sizes = [256, 8, 1, 64], strides = [1, 1, 1, 1]} : vector<256x8x2x64xi32> to vector<256x8x1x64xi32>
    %squeeze3A_6 = vector.shape_cast %slice3A_5 : vector<256x8x1x64xi32> to vector<256x8x64xi32>
    %swap3A_7 = arith.constant 0 : index
    %swap3A_8 = arith.constant 0 : index
    %swap3A_9 = arith.constant 64 : index
    %swap3A_10 = vector.load %arg3[%swap3A_7, %swap3A_8, %swap3A_9] : memref<256x8x128xi32, #tpu.memory_space<vmem>>, vector<256x8x64xi32>
    tpu.vector_store %arg3[%swap3A_7, %swap3A_8, %swap3A_9], %squeeze3A_6 {strides = array<i32>} : memref<256x8x128xi32, #tpu.memory_space<vmem>>, vector<256x8x64xi32>,
    %get3A_11 = arith.constant 0 : index
    %get3A_12 = arith.constant 0 : index
    %get3A_13 = vector.load %arg2[%get3A_11, %get3A_12] : memref<64x8192xf32, #tpu.memory_space<vmem>>, vector<64x8192xf32>
    %convert_element_type3A_14 = arith.truncf %get3A_13 : vector<64x8192xf32> to vector<64x8192xbf16>
    %transpose3A_15 = tpu.transpose %convert_element_type3A_14, [1, 0] : vector<64x8192xbf16> -> vector<8192x64xbf16>
    %bitcast3A_16 = tpu.bitcast %transpose3A_15 : vector<8192x64xbf16> -> vector<4096x64xi32>
    %reshape3A_17 = vector.shape_cast %bitcast3A_16 : vector<4096x64xi32> to vector<256x8x2x64xi32>
    %slice3A_18 = vector.extract_strided_slice %reshape3A_17 {offsets = [0, 0, 0, 0], sizes = [256, 8, 1, 64], strides = [1, 1, 1, 1]} : vector<256x8x2x64xi32> to vector<256x8x1x64xi32>
    %squeeze3A_19 = vector.shape_cast %slice3A_18 : vector<256x8x1x64xi32> to vector<256x8x64xi32>
    %swap3A_20 = arith.constant 0 : index
    %swap3A_21 = arith.constant 0 : index
    %swap3A_22 = arith.constant 0 : index
    %swap3A_23 = vector.load %arg4[%swap3A_20, %swap3A_21, %swap3A_22] : memref<256x8x128xi32, #tpu.memory_space<vmem>>, vector<256x8x64xi32>
    tpu.vector_store %arg4[%swap3A_20, %swap3A_21, %swap3A_22], %squeeze3A_19 {strides = array<i32>} : memref<256x8x128xi32, #tpu.memory_space<vmem>>, vector<256x8x64xi32>,
    %slice3A_24 = vector.extract_strided_slice %reshape3A_17 {offsets = [0, 0, 1, 0], sizes = [256, 8, 1, 64], strides = [1, 1, 1, 1]} : vector<256x8x2x64xi32> to vector<256x8x1x64xi32>
    %squeeze3A_25 = vector.shape_cast %slice3A_24 : vector<256x8x1x64xi32> to vector<256x8x64xi32>
    %swap3A_26 = arith.constant 0 : index
    %swap3A_27 = arith.constant 0 : index
    %swap3A_28 = arith.constant 64 : index
    %swap3A_29 = vector.load %arg4[%swap3A_26, %swap3A_27, %swap3A_28] : memref<256x8x128xi32, #tpu.memory_space<vmem>>, vector<256x8x64xi32>
    tpu.vector_store %arg4[%swap3A_26, %swap3A_27, %swap3A_28], %squeeze3A_25 {strides = array<i32>} : memref<256x8x128xi32, #tpu.memory_space<vmem>>, vector<256x8x64xi32>,
    return
  }
  func.func @transform_0(%arg0: i32) -> (i32, i32) {
    %c0_i32 = arith.constant 0 : i32
    %c0_i32_0 = arith.constant 0 : i32
    return %c0_i32, %arg0 : i32, i32
  }
  func.func @transform_1(%arg0: i32) -> (i32, i32) {
    %c0_i32 = arith.constant 0 : i32
    %c0_i32_0 = arith.constant 0 : i32
    return %c0_i32, %arg0 : i32, i32
  }
  func.func @transform_2(%arg0: i32) -> (i32, i32, i32) {
    %c0_i32 = arith.constant 0 : i32
    %c0_i32_0 = arith.constant 0 : i32
    %c0_i32_1 = arith.constant 0 : i32
    return %arg0, %c0_i32, %c0_i32_0 : i32, i32, i32
  }
  func.func @transform_3(%arg0: i32) -> (i32, i32, i32) {
    %c0_i32 = arith.constant 0 : i32
    %c0_i32_0 = arith.constant 0 : i32
    %c0_i32_1 = arith.constant 0 : i32
    return %arg0, %c0_i32, %c0_i32_0 : i32, i32, i32
  }
}

module attributes {stable_mosaic.version = 14 : i64} {
  func.func @_sel_body(%arg0: i32, %arg1: memref<512x8x128xi32, #tpu.memory_space<vmem>>, %arg2: memref<512x8x128xi32, #tpu.memory_space<vmem>>, %arg3: memref<512x1xi32, #tpu.memory_space<vmem>>, %arg4: memref<512x1xi32, #tpu.memory_space<vmem>>, %arg5: memref<512x64xf32, #tpu.memory_space<vmem>>, %arg6: memref<512x64xf32, #tpu.memory_space<vmem>>) attributes {dimension_semantics = [#tpu.dimension_semantics<arbitrary>], iteration_bounds = array<i64: 8>, scalar_prefetch = 0 : i64, scratch_operands = 0 : i64, tpu.core_type = #tpu.core_type<tc>, window_params = [{transform_indices = @transform_0, window_bounds = array<i64: 512, 8, 128>}, {transform_indices = @transform_1, window_bounds = array<i64: 512, 8, 128>}, {transform_indices = @transform_2, window_bounds = array<i64: 512, 1>}, {transform_indices = @transform_3, window_bounds = array<i64: 512, 1>}, {transform_indices = @transform_4, window_bounds = array<i64: 512, 64>}, {transform_indices = @transform_5, window_bounds = array<i64: 512, 64>}]} {
    %iota3A = tpu.iota {dimensions = array<i32: 1>} : vector<512x128xi32>
    %jit3A = arith.constant 64 : i32
    %div3A = vector.broadcast %jit3A : i32 to vector<512x128xi32>
    %div3A_0 = arith.divsi %iota3A, %div3A : vector<512x128xi32>
    %sign3A = arith.constant 0 : i32
    %sign3A_1 = vector.broadcast %sign3A : i32 to vector<512x128xi32>
    %sign3A_2 = arith.cmpi sgt, %iota3A, %sign3A_1 : vector<512x128xi32>
    %sign3A_3 = arith.extui %sign3A_2 : vector<512x128xi1> to vector<512x128xi32>
    %sign3A_4 = arith.constant 0 : i32
    %sign3A_5 = vector.broadcast %sign3A_4 : i32 to vector<512x128xi32>
    %sign3A_6 = arith.cmpi slt, %iota3A, %sign3A_5 : vector<512x128xi32>
    %sign3A_7 = arith.extui %sign3A_6 : vector<512x128xi1> to vector<512x128xi32>
    %sign3A_8 = arith.subi %sign3A_3, %sign3A_7 : vector<512x128xi32>
    %sign3A_9 = arith.constant 0 : i32
    %sign3A_10 = arith.cmpi sgt, %jit3A, %sign3A_9 : i32
    %sign3A_11 = arith.extui %sign3A_10 : i1 to i32
    %sign3A_12 = arith.constant 0 : i32
    %sign3A_13 = arith.cmpi slt, %jit3A, %sign3A_12 : i32
    %sign3A_14 = arith.extui %sign3A_13 : i1 to i32
    %sign3A_15 = arith.subi %sign3A_11, %sign3A_14 : i32
    %ne3A = vector.broadcast %sign3A_15 : i32 to vector<512x128xi32>
    %ne3A_16 = arith.cmpi ne, %sign3A_8, %ne3A : vector<512x128xi32>
    %rem3A = vector.broadcast %jit3A : i32 to vector<512x128xi32>
    %rem3A_17 = arith.remsi %iota3A, %rem3A : vector<512x128xi32>
    %ne3A_18 = arith.constant 0 : i32
    %ne3A_19 = vector.broadcast %ne3A_18 : i32 to vector<512x128xi32>
    %ne3A_20 = arith.cmpi ne, %rem3A_17, %ne3A_19 : vector<512x128xi32>
    %and3A = arith.andi %ne3A_16, %ne3A_20 : vector<512x128xi1>
    %sub3A = arith.constant 1 : i32
    %sub3A_21 = vector.broadcast %sub3A : i32 to vector<512x128xi32>
    %sub3A_22 = arith.subi %div3A_0, %sub3A_21 : vector<512x128xi32>
    %select_n3A = arith.select %and3A, %sub3A_22, %div3A_0 : vector<512x128xi1>, vector<512x128xi32>
    %mul3A = arith.constant 2 : i32
    %mul3A_23 = vector.broadcast %mul3A : i32 to vector<512x128xi32>
    %mul3A_24 = arith.muli %mul3A_23, %select_n3A : vector<512x128xi32>
    %get3A = arith.constant 0 : index
    %get3A_25 = arith.constant 0 : index
    %get3A_26 = vector.load %arg3[%get3A, %get3A_25] : memref<512x1xi32, #tpu.memory_space<vmem>>, vector<512x1xi32>
    %broadcast_in_dim3A = arith.constant 0.000000e+00 : f32
    %broadcast_in_dim3A_27 = vector.broadcast %broadcast_in_dim3A : f32 to vector<512x128xf32>
    %get3A_28 = arith.constant 0 : index
    %get3A_29 = arith.constant 0 : index
    %get3A_30 = arith.constant 0 : index
    %get3A_31 = vector.load %arg1[%get3A_28, %get3A_29, %get3A_30] : memref<512x8x128xi32, #tpu.memory_space<vmem>>, vector<512x1x128xi32>
    %get3A_32 = vector.shape_cast %get3A_31 : vector<512x1x128xi32> to vector<512x128xi32>
    %shift_left3A = arith.constant 16 : i32
    %shift_left3A_33 = vector.broadcast %shift_left3A : i32 to vector<512x128xi32>
    %shift_left3A_34 = arith.shli %get3A_32, %shift_left3A_33 : vector<512x128xi32>
    %bitcast_convert_type3A = tpu.bitcast %shift_left3A_34 : vector<512x128xi32> -> vector<512x128xf32>
    %and3A_35 = arith.constant -65536 : i32
    %and3A_36 = vector.broadcast %and3A_35 : i32 to vector<512x128xi32>
    %and3A_37 = arith.andi %get3A_32, %and3A_36 : vector<512x128xi32>
    %bitcast_convert_type3A_38 = tpu.bitcast %and3A_37 : vector<512x128xi32> -> vector<512x128xf32>
    %add3A = arith.constant 0 : i32
    %add3A_39 = vector.broadcast %add3A : i32 to vector<512x128xi32>
    %add3A_40 = arith.addi %add3A_39, %mul3A_24 : vector<512x128xi32>
    %eq3A = vector.broadcast %get3A_26 : vector<512x1xi32> to vector<512x128xi32>
    %eq3A_41 = arith.cmpi eq, %eq3A, %add3A_40 : vector<512x128xi32>
    %convert_element_type3A = arith.extui %eq3A_41 : vector<512x128xi1> to vector<512x128xi32>
    %convert_element_type3A_42 = arith.sitofp %convert_element_type3A : vector<512x128xi32> to vector<512x128xf32>
    %add3A_43 = arith.constant 1 : i32
    %add3A_44 = vector.broadcast %add3A_43 : i32 to vector<512x128xi32>
    %add3A_45 = arith.addi %add3A_40, %add3A_44 : vector<512x128xi32>
    %eq3A_46 = vector.broadcast %get3A_26 : vector<512x1xi32> to vector<512x128xi32>
    %eq3A_47 = arith.cmpi eq, %eq3A_46, %add3A_45 : vector<512x128xi32>
    %convert_element_type3A_48 = arith.extui %eq3A_47 : vector<512x128xi1> to vector<512x128xi32>
    %convert_element_type3A_49 = arith.sitofp %convert_element_type3A_48 : vector<512x128xi32> to vector<512x128xf32>
    %mul3A_50 = arith.mulf %bitcast_convert_type3A, %convert_element_type3A_42 : vector<512x128xf32>
    %mul3A_51 = arith.mulf %bitcast_convert_type3A_38, %convert_element_type3A_49 : vector<512x128xf32>
    %add3A_52 = arith.addf %mul3A_50, %mul3A_51 : vector<512x128xf32>
    %add3A_53 = arith.addf %broadcast_in_dim3A_27, %add3A_52 : vector<512x128xf32>
    %get3A_54 = arith.constant 0 : index
    %get3A_55 = arith.constant 1 : index
    %get3A_56 = arith.constant 0 : index
    %get3A_57 = vector.load %arg1[%get3A_54, %get3A_55, %get3A_56] : memref<512x8x128xi32, #tpu.memory_space<vmem>>, vector<512x1x128xi32>
    %get3A_58 = vector.shape_cast %get3A_57 : vector<512x1x128xi32> to vector<512x128xi32>
    %shift_left3A_59 = arith.constant 16 : i32
    %shift_left3A_60 = vector.broadcast %shift_left3A_59 : i32 to vector<512x128xi32>
    %shift_left3A_61 = arith.shli %get3A_58, %shift_left3A_60 : vector<512x128xi32>
    %bitcast_convert_type3A_62 = tpu.bitcast %shift_left3A_61 : vector<512x128xi32> -> vector<512x128xf32>
    %and3A_63 = arith.constant -65536 : i32
    %and3A_64 = vector.broadcast %and3A_63 : i32 to vector<512x128xi32>
    %and3A_65 = arith.andi %get3A_58, %and3A_64 : vector<512x128xi32>
    %bitcast_convert_type3A_66 = tpu.bitcast %and3A_65 : vector<512x128xi32> -> vector<512x128xf32>
    %add3A_67 = arith.constant 4 : i32
    %add3A_68 = vector.broadcast %add3A_67 : i32 to vector<512x128xi32>
    %add3A_69 = arith.addi %add3A_68, %mul3A_24 : vector<512x128xi32>
    %eq3A_70 = vector.broadcast %get3A_26 : vector<512x1xi32> to vector<512x128xi32>
    %eq3A_71 = arith.cmpi eq, %eq3A_70, %add3A_69 : vector<512x128xi32>
    %convert_element_type3A_72 = arith.extui %eq3A_71 : vector<512x128xi1> to vector<512x128xi32>
    %convert_element_type3A_73 = arith.sitofp %convert_element_type3A_72 : vector<512x128xi32> to vector<512x128xf32>
    %add3A_74 = arith.constant 1 : i32
    %add3A_75 = vector.broadcast %add3A_74 : i32 to vector<512x128xi32>
    %add3A_76 = arith.addi %add3A_69, %add3A_75 : vector<512x128xi32>
    %eq3A_77 = vector.broadcast %get3A_26 : vector<512x1xi32> to vector<512x128xi32>
    %eq3A_78 = arith.cmpi eq, %eq3A_77, %add3A_76 : vector<512x128xi32>
    %convert_element_type3A_79 = arith.extui %eq3A_78 : vector<512x128xi1> to vector<512x128xi32>
    %convert_element_type3A_80 = arith.sitofp %convert_element_type3A_79 : vector<512x128xi32> to vector<512x128xf32>
    %mul3A_81 = arith.mulf %bitcast_convert_type3A_62, %convert_element_type3A_73 : vector<512x128xf32>
    %mul3A_82 = arith.mulf %bitcast_convert_type3A_66, %convert_element_type3A_80 : vector<512x128xf32>
    %add3A_83 = arith.addf %mul3A_81, %mul3A_82 : vector<512x128xf32>
    %add3A_84 = arith.addf %add3A_53, %add3A_83 : vector<512x128xf32>
    %get3A_85 = arith.constant 0 : index
    %get3A_86 = arith.constant 2 : index
    %get3A_87 = arith.constant 0 : index
    %get3A_88 = vector.load %arg1[%get3A_85, %get3A_86, %get3A_87] : memref<512x8x128xi32, #tpu.memory_space<vmem>>, vector<512x1x128xi32>
    %get3A_89 = vector.shape_cast %get3A_88 : vector<512x1x128xi32> to vector<512x128xi32>
    %shift_left3A_90 = arith.constant 16 : i32
    %shift_left3A_91 = vector.broadcast %shift_left3A_90 : i32 to vector<512x128xi32>
    %shift_left3A_92 = arith.shli %get3A_89, %shift_left3A_91 : vector<512x128xi32>
    %bitcast_convert_type3A_93 = tpu.bitcast %shift_left3A_92 : vector<512x128xi32> -> vector<512x128xf32>
    %and3A_94 = arith.constant -65536 : i32
    %and3A_95 = vector.broadcast %and3A_94 : i32 to vector<512x128xi32>
    %and3A_96 = arith.andi %get3A_89, %and3A_95 : vector<512x128xi32>
    %bitcast_convert_type3A_97 = tpu.bitcast %and3A_96 : vector<512x128xi32> -> vector<512x128xf32>
    %add3A_98 = arith.constant 8 : i32
    %add3A_99 = vector.broadcast %add3A_98 : i32 to vector<512x128xi32>
    %add3A_100 = arith.addi %add3A_99, %mul3A_24 : vector<512x128xi32>
    %eq3A_101 = vector.broadcast %get3A_26 : vector<512x1xi32> to vector<512x128xi32>
    %eq3A_102 = arith.cmpi eq, %eq3A_101, %add3A_100 : vector<512x128xi32>
    %convert_element_type3A_103 = arith.extui %eq3A_102 : vector<512x128xi1> to vector<512x128xi32>
    %convert_element_type3A_104 = arith.sitofp %convert_element_type3A_103 : vector<512x128xi32> to vector<512x128xf32>
    %add3A_105 = arith.constant 1 : i32
    %add3A_106 = vector.broadcast %add3A_105 : i32 to vector<512x128xi32>
    %add3A_107 = arith.addi %add3A_100, %add3A_106 : vector<512x128xi32>
    %eq3A_108 = vector.broadcast %get3A_26 : vector<512x1xi32> to vector<512x128xi32>
    %eq3A_109 = arith.cmpi eq, %eq3A_108, %add3A_107 : vector<512x128xi32>
    %convert_element_type3A_110 = arith.extui %eq3A_109 : vector<512x128xi1> to vector<512x128xi32>
    %convert_element_type3A_111 = arith.sitofp %convert_element_type3A_110 : vector<512x128xi32> to vector<512x128xf32>
    %mul3A_112 = arith.mulf %bitcast_convert_type3A_93, %convert_element_type3A_104 : vector<512x128xf32>
    %mul3A_113 = arith.mulf %bitcast_convert_type3A_97, %convert_element_type3A_111 : vector<512x128xf32>
    %add3A_114 = arith.addf %mul3A_112, %mul3A_113 : vector<512x128xf32>
    %add3A_115 = arith.addf %add3A_84, %add3A_114 : vector<512x128xf32>
    %get3A_116 = arith.constant 0 : index
    %get3A_117 = arith.constant 3 : index
    %get3A_118 = arith.constant 0 : index
    %get3A_119 = vector.load %arg1[%get3A_116, %get3A_117, %get3A_118] : memref<512x8x128xi32, #tpu.memory_space<vmem>>, vector<512x1x128xi32>
    %get3A_120 = vector.shape_cast %get3A_119 : vector<512x1x128xi32> to vector<512x128xi32>
    %shift_left3A_121 = arith.constant 16 : i32
    %shift_left3A_122 = vector.broadcast %shift_left3A_121 : i32 to vector<512x128xi32>
    %shift_left3A_123 = arith.shli %get3A_120, %shift_left3A_122 : vector<512x128xi32>
    %bitcast_convert_type3A_124 = tpu.bitcast %shift_left3A_123 : vector<512x128xi32> -> vector<512x128xf32>
    %and3A_125 = arith.constant -65536 : i32
    %and3A_126 = vector.broadcast %and3A_125 : i32 to vector<512x128xi32>
    %and3A_127 = arith.andi %get3A_120, %and3A_126 : vector<512x128xi32>
    %bitcast_convert_type3A_128 = tpu.bitcast %and3A_127 : vector<512x128xi32> -> vector<512x128xf32>
    %add3A_129 = arith.constant 12 : i32
    %add3A_130 = vector.broadcast %add3A_129 : i32 to vector<512x128xi32>
    %add3A_131 = arith.addi %add3A_130, %mul3A_24 : vector<512x128xi32>
    %eq3A_132 = vector.broadcast %get3A_26 : vector<512x1xi32> to vector<512x128xi32>
    %eq3A_133 = arith.cmpi eq, %eq3A_132, %add3A_131 : vector<512x128xi32>
    %convert_element_type3A_134 = arith.extui %eq3A_133 : vector<512x128xi1> to vector<512x128xi32>
    %convert_element_type3A_135 = arith.sitofp %convert_element_type3A_134 : vector<512x128xi32> to vector<512x128xf32>
    %add3A_136 = arith.constant 1 : i32
    %add3A_137 = vector.broadcast %add3A_136 : i32 to vector<512x128xi32>
    %add3A_138 = arith.addi %add3A_131, %add3A_137 : vector<512x128xi32>
    %eq3A_139 = vector.broadcast %get3A_26 : vector<512x1xi32> to vector<512x128xi32>
    %eq3A_140 = arith.cmpi eq, %eq3A_139, %add3A_138 : vector<512x128xi32>
    %convert_element_type3A_141 = arith.extui %eq3A_140 : vector<512x128xi1> to vector<512x128xi32>
    %convert_element_type3A_142 = arith.sitofp %convert_element_type3A_141 : vector<512x128xi32> to vector<512x128xf32>
    %mul3A_143 = arith.mulf %bitcast_convert_type3A_124, %convert_element_type3A_135 : vector<512x128xf32>
    %mul3A_144 = arith.mulf %bitcast_convert_type3A_128, %convert_element_type3A_142 : vector<512x128xf32>
    %add3A_145 = arith.addf %mul3A_143, %mul3A_144 : vector<512x128xf32>
    %add3A_146 = arith.addf %add3A_115, %add3A_145 : vector<512x128xf32>
    %get3A_147 = arith.constant 0 : index
    %get3A_148 = arith.constant 4 : index
    %get3A_149 = arith.constant 0 : index
    %get3A_150 = vector.load %arg1[%get3A_147, %get3A_148, %get3A_149] : memref<512x8x128xi32, #tpu.memory_space<vmem>>, vector<512x1x128xi32>
    %get3A_151 = vector.shape_cast %get3A_150 : vector<512x1x128xi32> to vector<512x128xi32>
    %shift_left3A_152 = arith.constant 16 : i32
    %shift_left3A_153 = vector.broadcast %shift_left3A_152 : i32 to vector<512x128xi32>
    %shift_left3A_154 = arith.shli %get3A_151, %shift_left3A_153 : vector<512x128xi32>
    %bitcast_convert_type3A_155 = tpu.bitcast %shift_left3A_154 : vector<512x128xi32> -> vector<512x128xf32>
    %and3A_156 = arith.constant -65536 : i32
    %and3A_157 = vector.broadcast %and3A_156 : i32 to vector<512x128xi32>
    %and3A_158 = arith.andi %get3A_151, %and3A_157 : vector<512x128xi32>
    %bitcast_convert_type3A_159 = tpu.bitcast %and3A_158 : vector<512x128xi32> -> vector<512x128xf32>
    %add3A_160 = arith.constant 16 : i32
    %add3A_161 = vector.broadcast %add3A_160 : i32 to vector<512x128xi32>
    %add3A_162 = arith.addi %add3A_161, %mul3A_24 : vector<512x128xi32>
    %eq3A_163 = vector.broadcast %get3A_26 : vector<512x1xi32> to vector<512x128xi32>
    %eq3A_164 = arith.cmpi eq, %eq3A_163, %add3A_162 : vector<512x128xi32>
    %convert_element_type3A_165 = arith.extui %eq3A_164 : vector<512x128xi1> to vector<512x128xi32>
    %convert_element_type3A_166 = arith.sitofp %convert_element_type3A_165 : vector<512x128xi32> to vector<512x128xf32>
    %add3A_167 = arith.constant 1 : i32
    %add3A_168 = vector.broadcast %add3A_167 : i32 to vector<512x128xi32>
    %add3A_169 = arith.addi %add3A_162, %add3A_168 : vector<512x128xi32>
    %eq3A_170 = vector.broadcast %get3A_26 : vector<512x1xi32> to vector<512x128xi32>
    %eq3A_171 = arith.cmpi eq, %eq3A_170, %add3A_169 : vector<512x128xi32>
    %convert_element_type3A_172 = arith.extui %eq3A_171 : vector<512x128xi1> to vector<512x128xi32>
    %convert_element_type3A_173 = arith.sitofp %convert_element_type3A_172 : vector<512x128xi32> to vector<512x128xf32>
    %mul3A_174 = arith.mulf %bitcast_convert_type3A_155, %convert_element_type3A_166 : vector<512x128xf32>
    %mul3A_175 = arith.mulf %bitcast_convert_type3A_159, %convert_element_type3A_173 : vector<512x128xf32>
    %add3A_176 = arith.addf %mul3A_174, %mul3A_175 : vector<512x128xf32>
    %add3A_177 = arith.addf %add3A_146, %add3A_176 : vector<512x128xf32>
    %get3A_178 = arith.constant 0 : index
    %get3A_179 = arith.constant 5 : index
    %get3A_180 = arith.constant 0 : index
    %get3A_181 = vector.load %arg1[%get3A_178, %get3A_179, %get3A_180] : memref<512x8x128xi32, #tpu.memory_space<vmem>>, vector<512x1x128xi32>
    %get3A_182 = vector.shape_cast %get3A_181 : vector<512x1x128xi32> to vector<512x128xi32>
    %shift_left3A_183 = arith.constant 16 : i32
    %shift_left3A_184 = vector.broadcast %shift_left3A_183 : i32 to vector<512x128xi32>
    %shift_left3A_185 = arith.shli %get3A_182, %shift_left3A_184 : vector<512x128xi32>
    %bitcast_convert_type3A_186 = tpu.bitcast %shift_left3A_185 : vector<512x128xi32> -> vector<512x128xf32>
    %and3A_187 = arith.constant -65536 : i32
    %and3A_188 = vector.broadcast %and3A_187 : i32 to vector<512x128xi32>
    %and3A_189 = arith.andi %get3A_182, %and3A_188 : vector<512x128xi32>
    %bitcast_convert_type3A_190 = tpu.bitcast %and3A_189 : vector<512x128xi32> -> vector<512x128xf32>
    %add3A_191 = arith.constant 20 : i32
    %add3A_192 = vector.broadcast %add3A_191 : i32 to vector<512x128xi32>
    %add3A_193 = arith.addi %add3A_192, %mul3A_24 : vector<512x128xi32>
    %eq3A_194 = vector.broadcast %get3A_26 : vector<512x1xi32> to vector<512x128xi32>
    %eq3A_195 = arith.cmpi eq, %eq3A_194, %add3A_193 : vector<512x128xi32>
    %convert_element_type3A_196 = arith.extui %eq3A_195 : vector<512x128xi1> to vector<512x128xi32>
    %convert_element_type3A_197 = arith.sitofp %convert_element_type3A_196 : vector<512x128xi32> to vector<512x128xf32>
    %add3A_198 = arith.constant 1 : i32
    %add3A_199 = vector.broadcast %add3A_198 : i32 to vector<512x128xi32>
    %add3A_200 = arith.addi %add3A_193, %add3A_199 : vector<512x128xi32>
    %eq3A_201 = vector.broadcast %get3A_26 : vector<512x1xi32> to vector<512x128xi32>
    %eq3A_202 = arith.cmpi eq, %eq3A_201, %add3A_200 : vector<512x128xi32>
    %convert_element_type3A_203 = arith.extui %eq3A_202 : vector<512x128xi1> to vector<512x128xi32>
    %convert_element_type3A_204 = arith.sitofp %convert_element_type3A_203 : vector<512x128xi32> to vector<512x128xf32>
    %mul3A_205 = arith.mulf %bitcast_convert_type3A_186, %convert_element_type3A_197 : vector<512x128xf32>
    %mul3A_206 = arith.mulf %bitcast_convert_type3A_190, %convert_element_type3A_204 : vector<512x128xf32>
    %add3A_207 = arith.addf %mul3A_205, %mul3A_206 : vector<512x128xf32>
    %add3A_208 = arith.addf %add3A_177, %add3A_207 : vector<512x128xf32>
    %get3A_209 = arith.constant 0 : index
    %get3A_210 = arith.constant 6 : index
    %get3A_211 = arith.constant 0 : index
    %get3A_212 = vector.load %arg1[%get3A_209, %get3A_210, %get3A_211] : memref<512x8x128xi32, #tpu.memory_space<vmem>>, vector<512x1x128xi32>
    %get3A_213 = vector.shape_cast %get3A_212 : vector<512x1x128xi32> to vector<512x128xi32>
    %shift_left3A_214 = arith.constant 16 : i32
    %shift_left3A_215 = vector.broadcast %shift_left3A_214 : i32 to vector<512x128xi32>
    %shift_left3A_216 = arith.shli %get3A_213, %shift_left3A_215 : vector<512x128xi32>
    %bitcast_convert_type3A_217 = tpu.bitcast %shift_left3A_216 : vector<512x128xi32> -> vector<512x128xf32>
    %and3A_218 = arith.constant -65536 : i32
    %and3A_219 = vector.broadcast %and3A_218 : i32 to vector<512x128xi32>
    %and3A_220 = arith.andi %get3A_213, %and3A_219 : vector<512x128xi32>
    %bitcast_convert_type3A_221 = tpu.bitcast %and3A_220 : vector<512x128xi32> -> vector<512x128xf32>
    %add3A_222 = arith.constant 24 : i32
    %add3A_223 = vector.broadcast %add3A_222 : i32 to vector<512x128xi32>
    %add3A_224 = arith.addi %add3A_223, %mul3A_24 : vector<512x128xi32>
    %eq3A_225 = vector.broadcast %get3A_26 : vector<512x1xi32> to vector<512x128xi32>
    %eq3A_226 = arith.cmpi eq, %eq3A_225, %add3A_224 : vector<512x128xi32>
    %convert_element_type3A_227 = arith.extui %eq3A_226 : vector<512x128xi1> to vector<512x128xi32>
    %convert_element_type3A_228 = arith.sitofp %convert_element_type3A_227 : vector<512x128xi32> to vector<512x128xf32>
    %add3A_229 = arith.constant 1 : i32
    %add3A_230 = vector.broadcast %add3A_229 : i32 to vector<512x128xi32>
    %add3A_231 = arith.addi %add3A_224, %add3A_230 : vector<512x128xi32>
    %eq3A_232 = vector.broadcast %get3A_26 : vector<512x1xi32> to vector<512x128xi32>
    %eq3A_233 = arith.cmpi eq, %eq3A_232, %add3A_231 : vector<512x128xi32>
    %convert_element_type3A_234 = arith.extui %eq3A_233 : vector<512x128xi1> to vector<512x128xi32>
    %convert_element_type3A_235 = arith.sitofp %convert_element_type3A_234 : vector<512x128xi32> to vector<512x128xf32>
    %mul3A_236 = arith.mulf %bitcast_convert_type3A_217, %convert_element_type3A_228 : vector<512x128xf32>
    %mul3A_237 = arith.mulf %bitcast_convert_type3A_221, %convert_element_type3A_235 : vector<512x128xf32>
    %add3A_238 = arith.addf %mul3A_236, %mul3A_237 : vector<512x128xf32>
    %add3A_239 = arith.addf %add3A_208, %add3A_238 : vector<512x128xf32>
    %get3A_240 = arith.constant 0 : index
    %get3A_241 = arith.constant 7 : index
    %get3A_242 = arith.constant 0 : index
    %get3A_243 = vector.load %arg1[%get3A_240, %get3A_241, %get3A_242] : memref<512x8x128xi32, #tpu.memory_space<vmem>>, vector<512x1x128xi32>
    %get3A_244 = vector.shape_cast %get3A_243 : vector<512x1x128xi32> to vector<512x128xi32>
    %shift_left3A_245 = arith.constant 16 : i32
    %shift_left3A_246 = vector.broadcast %shift_left3A_245 : i32 to vector<512x128xi32>
    %shift_left3A_247 = arith.shli %get3A_244, %shift_left3A_246 : vector<512x128xi32>
    %bitcast_convert_type3A_248 = tpu.bitcast %shift_left3A_247 : vector<512x128xi32> -> vector<512x128xf32>
    %and3A_249 = arith.constant -65536 : i32
    %and3A_250 = vector.broadcast %and3A_249 : i32 to vector<512x128xi32>
    %and3A_251 = arith.andi %get3A_244, %and3A_250 : vector<512x128xi32>
    %bitcast_convert_type3A_252 = tpu.bitcast %and3A_251 : vector<512x128xi32> -> vector<512x128xf32>
    %add3A_253 = arith.constant 28 : i32
    %add3A_254 = vector.broadcast %add3A_253 : i32 to vector<512x128xi32>
    %add3A_255 = arith.addi %add3A_254, %mul3A_24 : vector<512x128xi32>
    %eq3A_256 = vector.broadcast %get3A_26 : vector<512x1xi32> to vector<512x128xi32>
    %eq3A_257 = arith.cmpi eq, %eq3A_256, %add3A_255 : vector<512x128xi32>
    %convert_element_type3A_258 = arith.extui %eq3A_257 : vector<512x128xi1> to vector<512x128xi32>
    %convert_element_type3A_259 = arith.sitofp %convert_element_type3A_258 : vector<512x128xi32> to vector<512x128xf32>
    %add3A_260 = arith.constant 1 : i32
    %add3A_261 = vector.broadcast %add3A_260 : i32 to vector<512x128xi32>
    %add3A_262 = arith.addi %add3A_255, %add3A_261 : vector<512x128xi32>
    %eq3A_263 = vector.broadcast %get3A_26 : vector<512x1xi32> to vector<512x128xi32>
    %eq3A_264 = arith.cmpi eq, %eq3A_263, %add3A_262 : vector<512x128xi32>
    %convert_element_type3A_265 = arith.extui %eq3A_264 : vector<512x128xi1> to vector<512x128xi32>
    %convert_element_type3A_266 = arith.sitofp %convert_element_type3A_265 : vector<512x128xi32> to vector<512x128xf32>
    %mul3A_267 = arith.mulf %bitcast_convert_type3A_248, %convert_element_type3A_259 : vector<512x128xf32>
    %mul3A_268 = arith.mulf %bitcast_convert_type3A_252, %convert_element_type3A_266 : vector<512x128xf32>
    %add3A_269 = arith.addf %mul3A_267, %mul3A_268 : vector<512x128xf32>
    %add3A_270 = arith.addf %add3A_239, %add3A_269 : vector<512x128xf32>
    %slice3A = vector.extract_strided_slice %add3A_270 {offsets = [0, 0], sizes = [512, 64], strides = [1, 1]} : vector<512x128xf32> to vector<512x64xf32>
    %slice3A_271 = vector.extract_strided_slice %add3A_270 {offsets = [0, 64], sizes = [512, 64], strides = [1, 1]} : vector<512x128xf32> to vector<512x64xf32>
    %add3A_272 = arith.addf %slice3A, %slice3A_271 : vector<512x64xf32>
    %swap3A = arith.constant 0 : index
    %swap3A_273 = arith.constant 0 : index
    %swap3A_274 = vector.load %arg5[%swap3A, %swap3A_273] : memref<512x64xf32, #tpu.memory_space<vmem>>, vector<512x64xf32>
    tpu.vector_store %arg5[%swap3A, %swap3A_273], %add3A_272 {strides = array<i32>} : memref<512x64xf32, #tpu.memory_space<vmem>>, vector<512x64xf32>,
    %get3A_275 = arith.constant 0 : index
    %get3A_276 = arith.constant 0 : index
    %get3A_277 = vector.load %arg4[%get3A_275, %get3A_276] : memref<512x1xi32, #tpu.memory_space<vmem>>, vector<512x1xi32>
    %broadcast_in_dim3A_278 = arith.constant 0.000000e+00 : f32
    %broadcast_in_dim3A_279 = vector.broadcast %broadcast_in_dim3A_278 : f32 to vector<512x128xf32>
    %get3A_280 = arith.constant 0 : index
    %get3A_281 = arith.constant 0 : index
    %get3A_282 = arith.constant 0 : index
    %get3A_283 = vector.load %arg2[%get3A_280, %get3A_281, %get3A_282] : memref<512x8x128xi32, #tpu.memory_space<vmem>>, vector<512x1x128xi32>
    %get3A_284 = vector.shape_cast %get3A_283 : vector<512x1x128xi32> to vector<512x128xi32>
    %shift_left3A_285 = arith.constant 16 : i32
    %shift_left3A_286 = vector.broadcast %shift_left3A_285 : i32 to vector<512x128xi32>
    %shift_left3A_287 = arith.shli %get3A_284, %shift_left3A_286 : vector<512x128xi32>
    %bitcast_convert_type3A_288 = tpu.bitcast %shift_left3A_287 : vector<512x128xi32> -> vector<512x128xf32>
    %and3A_289 = arith.constant -65536 : i32
    %and3A_290 = vector.broadcast %and3A_289 : i32 to vector<512x128xi32>
    %and3A_291 = arith.andi %get3A_284, %and3A_290 : vector<512x128xi32>
    %bitcast_convert_type3A_292 = tpu.bitcast %and3A_291 : vector<512x128xi32> -> vector<512x128xf32>
    %add3A_293 = arith.constant 0 : i32
    %add3A_294 = vector.broadcast %add3A_293 : i32 to vector<512x128xi32>
    %add3A_295 = arith.addi %add3A_294, %mul3A_24 : vector<512x128xi32>
    %eq3A_296 = vector.broadcast %get3A_277 : vector<512x1xi32> to vector<512x128xi32>
    %eq3A_297 = arith.cmpi eq, %eq3A_296, %add3A_295 : vector<512x128xi32>
    %convert_element_type3A_298 = arith.extui %eq3A_297 : vector<512x128xi1> to vector<512x128xi32>
    %convert_element_type3A_299 = arith.sitofp %convert_element_type3A_298 : vector<512x128xi32> to vector<512x128xf32>
    %add3A_300 = arith.constant 1 : i32
    %add3A_301 = vector.broadcast %add3A_300 : i32 to vector<512x128xi32>
    %add3A_302 = arith.addi %add3A_295, %add3A_301 : vector<512x128xi32>
    %eq3A_303 = vector.broadcast %get3A_277 : vector<512x1xi32> to vector<512x128xi32>
    %eq3A_304 = arith.cmpi eq, %eq3A_303, %add3A_302 : vector<512x128xi32>
    %convert_element_type3A_305 = arith.extui %eq3A_304 : vector<512x128xi1> to vector<512x128xi32>
    %convert_element_type3A_306 = arith.sitofp %convert_element_type3A_305 : vector<512x128xi32> to vector<512x128xf32>
    %mul3A_307 = arith.mulf %bitcast_convert_type3A_288, %convert_element_type3A_299 : vector<512x128xf32>
    %mul3A_308 = arith.mulf %bitcast_convert_type3A_292, %convert_element_type3A_306 : vector<512x128xf32>
    %add3A_309 = arith.addf %mul3A_307, %mul3A_308 : vector<512x128xf32>
    %add3A_310 = arith.addf %broadcast_in_dim3A_279, %add3A_309 : vector<512x128xf32>
    %get3A_311 = arith.constant 0 : index
    %get3A_312 = arith.constant 1 : index
    %get3A_313 = arith.constant 0 : index
    %get3A_314 = vector.load %arg2[%get3A_311, %get3A_312, %get3A_313] : memref<512x8x128xi32, #tpu.memory_space<vmem>>, vector<512x1x128xi32>
    %get3A_315 = vector.shape_cast %get3A_314 : vector<512x1x128xi32> to vector<512x128xi32>
    %shift_left3A_316 = arith.constant 16 : i32
    %shift_left3A_317 = vector.broadcast %shift_left3A_316 : i32 to vector<512x128xi32>
    %shift_left3A_318 = arith.shli %get3A_315, %shift_left3A_317 : vector<512x128xi32>
    %bitcast_convert_type3A_319 = tpu.bitcast %shift_left3A_318 : vector<512x128xi32> -> vector<512x128xf32>
    %and3A_320 = arith.constant -65536 : i32
    %and3A_321 = vector.broadcast %and3A_320 : i32 to vector<512x128xi32>
    %and3A_322 = arith.andi %get3A_315, %and3A_321 : vector<512x128xi32>
    %bitcast_convert_type3A_323 = tpu.bitcast %and3A_322 : vector<512x128xi32> -> vector<512x128xf32>
    %add3A_324 = arith.constant 4 : i32
    %add3A_325 = vector.broadcast %add3A_324 : i32 to vector<512x128xi32>
    %add3A_326 = arith.addi %add3A_325, %mul3A_24 : vector<512x128xi32>
    %eq3A_327 = vector.broadcast %get3A_277 : vector<512x1xi32> to vector<512x128xi32>
    %eq3A_328 = arith.cmpi eq, %eq3A_327, %add3A_326 : vector<512x128xi32>
    %convert_element_type3A_329 = arith.extui %eq3A_328 : vector<512x128xi1> to vector<512x128xi32>
    %convert_element_type3A_330 = arith.sitofp %convert_element_type3A_329 : vector<512x128xi32> to vector<512x128xf32>
    %add3A_331 = arith.constant 1 : i32
    %add3A_332 = vector.broadcast %add3A_331 : i32 to vector<512x128xi32>
    %add3A_333 = arith.addi %add3A_326, %add3A_332 : vector<512x128xi32>
    %eq3A_334 = vector.broadcast %get3A_277 : vector<512x1xi32> to vector<512x128xi32>
    %eq3A_335 = arith.cmpi eq, %eq3A_334, %add3A_333 : vector<512x128xi32>
    %convert_element_type3A_336 = arith.extui %eq3A_335 : vector<512x128xi1> to vector<512x128xi32>
    %convert_element_type3A_337 = arith.sitofp %convert_element_type3A_336 : vector<512x128xi32> to vector<512x128xf32>
    %mul3A_338 = arith.mulf %bitcast_convert_type3A_319, %convert_element_type3A_330 : vector<512x128xf32>
    %mul3A_339 = arith.mulf %bitcast_convert_type3A_323, %convert_element_type3A_337 : vector<512x128xf32>
    %add3A_340 = arith.addf %mul3A_338, %mul3A_339 : vector<512x128xf32>
    %add3A_341 = arith.addf %add3A_310, %add3A_340 : vector<512x128xf32>
    %get3A_342 = arith.constant 0 : index
    %get3A_343 = arith.constant 2 : index
    %get3A_344 = arith.constant 0 : index
    %get3A_345 = vector.load %arg2[%get3A_342, %get3A_343, %get3A_344] : memref<512x8x128xi32, #tpu.memory_space<vmem>>, vector<512x1x128xi32>
    %get3A_346 = vector.shape_cast %get3A_345 : vector<512x1x128xi32> to vector<512x128xi32>
    %shift_left3A_347 = arith.constant 16 : i32
    %shift_left3A_348 = vector.broadcast %shift_left3A_347 : i32 to vector<512x128xi32>
    %shift_left3A_349 = arith.shli %get3A_346, %shift_left3A_348 : vector<512x128xi32>
    %bitcast_convert_type3A_350 = tpu.bitcast %shift_left3A_349 : vector<512x128xi32> -> vector<512x128xf32>
    %and3A_351 = arith.constant -65536 : i32
    %and3A_352 = vector.broadcast %and3A_351 : i32 to vector<512x128xi32>
    %and3A_353 = arith.andi %get3A_346, %and3A_352 : vector<512x128xi32>
    %bitcast_convert_type3A_354 = tpu.bitcast %and3A_353 : vector<512x128xi32> -> vector<512x128xf32>
    %add3A_355 = arith.constant 8 : i32
    %add3A_356 = vector.broadcast %add3A_355 : i32 to vector<512x128xi32>
    %add3A_357 = arith.addi %add3A_356, %mul3A_24 : vector<512x128xi32>
    %eq3A_358 = vector.broadcast %get3A_277 : vector<512x1xi32> to vector<512x128xi32>
    %eq3A_359 = arith.cmpi eq, %eq3A_358, %add3A_357 : vector<512x128xi32>
    %convert_element_type3A_360 = arith.extui %eq3A_359 : vector<512x128xi1> to vector<512x128xi32>
    %convert_element_type3A_361 = arith.sitofp %convert_element_type3A_360 : vector<512x128xi32> to vector<512x128xf32>
    %add3A_362 = arith.constant 1 : i32
    %add3A_363 = vector.broadcast %add3A_362 : i32 to vector<512x128xi32>
    %add3A_364 = arith.addi %add3A_357, %add3A_363 : vector<512x128xi32>
    %eq3A_365 = vector.broadcast %get3A_277 : vector<512x1xi32> to vector<512x128xi32>
    %eq3A_366 = arith.cmpi eq, %eq3A_365, %add3A_364 : vector<512x128xi32>
    %convert_element_type3A_367 = arith.extui %eq3A_366 : vector<512x128xi1> to vector<512x128xi32>
    %convert_element_type3A_368 = arith.sitofp %convert_element_type3A_367 : vector<512x128xi32> to vector<512x128xf32>
    %mul3A_369 = arith.mulf %bitcast_convert_type3A_350, %convert_element_type3A_361 : vector<512x128xf32>
    %mul3A_370 = arith.mulf %bitcast_convert_type3A_354, %convert_element_type3A_368 : vector<512x128xf32>
    %add3A_371 = arith.addf %mul3A_369, %mul3A_370 : vector<512x128xf32>
    %add3A_372 = arith.addf %add3A_341, %add3A_371 : vector<512x128xf32>
    %get3A_373 = arith.constant 0 : index
    %get3A_374 = arith.constant 3 : index
    %get3A_375 = arith.constant 0 : index
    %get3A_376 = vector.load %arg2[%get3A_373, %get3A_374, %get3A_375] : memref<512x8x128xi32, #tpu.memory_space<vmem>>, vector<512x1x128xi32>
    %get3A_377 = vector.shape_cast %get3A_376 : vector<512x1x128xi32> to vector<512x128xi32>
    %shift_left3A_378 = arith.constant 16 : i32
    %shift_left3A_379 = vector.broadcast %shift_left3A_378 : i32 to vector<512x128xi32>
    %shift_left3A_380 = arith.shli %get3A_377, %shift_left3A_379 : vector<512x128xi32>
    %bitcast_convert_type3A_381 = tpu.bitcast %shift_left3A_380 : vector<512x128xi32> -> vector<512x128xf32>
    %and3A_382 = arith.constant -65536 : i32
    %and3A_383 = vector.broadcast %and3A_382 : i32 to vector<512x128xi32>
    %and3A_384 = arith.andi %get3A_377, %and3A_383 : vector<512x128xi32>
    %bitcast_convert_type3A_385 = tpu.bitcast %and3A_384 : vector<512x128xi32> -> vector<512x128xf32>
    %add3A_386 = arith.constant 12 : i32
    %add3A_387 = vector.broadcast %add3A_386 : i32 to vector<512x128xi32>
    %add3A_388 = arith.addi %add3A_387, %mul3A_24 : vector<512x128xi32>
    %eq3A_389 = vector.broadcast %get3A_277 : vector<512x1xi32> to vector<512x128xi32>
    %eq3A_390 = arith.cmpi eq, %eq3A_389, %add3A_388 : vector<512x128xi32>
    %convert_element_type3A_391 = arith.extui %eq3A_390 : vector<512x128xi1> to vector<512x128xi32>
    %convert_element_type3A_392 = arith.sitofp %convert_element_type3A_391 : vector<512x128xi32> to vector<512x128xf32>
    %add3A_393 = arith.constant 1 : i32
    %add3A_394 = vector.broadcast %add3A_393 : i32 to vector<512x128xi32>
    %add3A_395 = arith.addi %add3A_388, %add3A_394 : vector<512x128xi32>
    %eq3A_396 = vector.broadcast %get3A_277 : vector<512x1xi32> to vector<512x128xi32>
    %eq3A_397 = arith.cmpi eq, %eq3A_396, %add3A_395 : vector<512x128xi32>
    %convert_element_type3A_398 = arith.extui %eq3A_397 : vector<512x128xi1> to vector<512x128xi32>
    %convert_element_type3A_399 = arith.sitofp %convert_element_type3A_398 : vector<512x128xi32> to vector<512x128xf32>
    %mul3A_400 = arith.mulf %bitcast_convert_type3A_381, %convert_element_type3A_392 : vector<512x128xf32>
    %mul3A_401 = arith.mulf %bitcast_convert_type3A_385, %convert_element_type3A_399 : vector<512x128xf32>
    %add3A_402 = arith.addf %mul3A_400, %mul3A_401 : vector<512x128xf32>
    %add3A_403 = arith.addf %add3A_372, %add3A_402 : vector<512x128xf32>
    %get3A_404 = arith.constant 0 : index
    %get3A_405 = arith.constant 4 : index
    %get3A_406 = arith.constant 0 : index
    %get3A_407 = vector.load %arg2[%get3A_404, %get3A_405, %get3A_406] : memref<512x8x128xi32, #tpu.memory_space<vmem>>, vector<512x1x128xi32>
    %get3A_408 = vector.shape_cast %get3A_407 : vector<512x1x128xi32> to vector<512x128xi32>
    %shift_left3A_409 = arith.constant 16 : i32
    %shift_left3A_410 = vector.broadcast %shift_left3A_409 : i32 to vector<512x128xi32>
    %shift_left3A_411 = arith.shli %get3A_408, %shift_left3A_410 : vector<512x128xi32>
    %bitcast_convert_type3A_412 = tpu.bitcast %shift_left3A_411 : vector<512x128xi32> -> vector<512x128xf32>
    %and3A_413 = arith.constant -65536 : i32
    %and3A_414 = vector.broadcast %and3A_413 : i32 to vector<512x128xi32>
    %and3A_415 = arith.andi %get3A_408, %and3A_414 : vector<512x128xi32>
    %bitcast_convert_type3A_416 = tpu.bitcast %and3A_415 : vector<512x128xi32> -> vector<512x128xf32>
    %add3A_417 = arith.constant 16 : i32
    %add3A_418 = vector.broadcast %add3A_417 : i32 to vector<512x128xi32>
    %add3A_419 = arith.addi %add3A_418, %mul3A_24 : vector<512x128xi32>
    %eq3A_420 = vector.broadcast %get3A_277 : vector<512x1xi32> to vector<512x128xi32>
    %eq3A_421 = arith.cmpi eq, %eq3A_420, %add3A_419 : vector<512x128xi32>
    %convert_element_type3A_422 = arith.extui %eq3A_421 : vector<512x128xi1> to vector<512x128xi32>
    %convert_element_type3A_423 = arith.sitofp %convert_element_type3A_422 : vector<512x128xi32> to vector<512x128xf32>
    %add3A_424 = arith.constant 1 : i32
    %add3A_425 = vector.broadcast %add3A_424 : i32 to vector<512x128xi32>
    %add3A_426 = arith.addi %add3A_419, %add3A_425 : vector<512x128xi32>
    %eq3A_427 = vector.broadcast %get3A_277 : vector<512x1xi32> to vector<512x128xi32>
    %eq3A_428 = arith.cmpi eq, %eq3A_427, %add3A_426 : vector<512x128xi32>
    %convert_element_type3A_429 = arith.extui %eq3A_428 : vector<512x128xi1> to vector<512x128xi32>
    %convert_element_type3A_430 = arith.sitofp %convert_element_type3A_429 : vector<512x128xi32> to vector<512x128xf32>
    %mul3A_431 = arith.mulf %bitcast_convert_type3A_412, %convert_element_type3A_423 : vector<512x128xf32>
    %mul3A_432 = arith.mulf %bitcast_convert_type3A_416, %convert_element_type3A_430 : vector<512x128xf32>
    %add3A_433 = arith.addf %mul3A_431, %mul3A_432 : vector<512x128xf32>
    %add3A_434 = arith.addf %add3A_403, %add3A_433 : vector<512x128xf32>
    %get3A_435 = arith.constant 0 : index
    %get3A_436 = arith.constant 5 : index
    %get3A_437 = arith.constant 0 : index
    %get3A_438 = vector.load %arg2[%get3A_435, %get3A_436, %get3A_437] : memref<512x8x128xi32, #tpu.memory_space<vmem>>, vector<512x1x128xi32>
    %get3A_439 = vector.shape_cast %get3A_438 : vector<512x1x128xi32> to vector<512x128xi32>
    %shift_left3A_440 = arith.constant 16 : i32
    %shift_left3A_441 = vector.broadcast %shift_left3A_440 : i32 to vector<512x128xi32>
    %shift_left3A_442 = arith.shli %get3A_439, %shift_left3A_441 : vector<512x128xi32>
    %bitcast_convert_type3A_443 = tpu.bitcast %shift_left3A_442 : vector<512x128xi32> -> vector<512x128xf32>
    %and3A_444 = arith.constant -65536 : i32
    %and3A_445 = vector.broadcast %and3A_444 : i32 to vector<512x128xi32>
    %and3A_446 = arith.andi %get3A_439, %and3A_445 : vector<512x128xi32>
    %bitcast_convert_type3A_447 = tpu.bitcast %and3A_446 : vector<512x128xi32> -> vector<512x128xf32>
    %add3A_448 = arith.constant 20 : i32
    %add3A_449 = vector.broadcast %add3A_448 : i32 to vector<512x128xi32>
    %add3A_450 = arith.addi %add3A_449, %mul3A_24 : vector<512x128xi32>
    %eq3A_451 = vector.broadcast %get3A_277 : vector<512x1xi32> to vector<512x128xi32>
    %eq3A_452 = arith.cmpi eq, %eq3A_451, %add3A_450 : vector<512x128xi32>
    %convert_element_type3A_453 = arith.extui %eq3A_452 : vector<512x128xi1> to vector<512x128xi32>
    %convert_element_type3A_454 = arith.sitofp %convert_element_type3A_453 : vector<512x128xi32> to vector<512x128xf32>
    %add3A_455 = arith.constant 1 : i32
    %add3A_456 = vector.broadcast %add3A_455 : i32 to vector<512x128xi32>
    %add3A_457 = arith.addi %add3A_450, %add3A_456 : vector<512x128xi32>
    %eq3A_458 = vector.broadcast %get3A_277 : vector<512x1xi32> to vector<512x128xi32>
    %eq3A_459 = arith.cmpi eq, %eq3A_458, %add3A_457 : vector<512x128xi32>
    %convert_element_type3A_460 = arith.extui %eq3A_459 : vector<512x128xi1> to vector<512x128xi32>
    %convert_element_type3A_461 = arith.sitofp %convert_element_type3A_460 : vector<512x128xi32> to vector<512x128xf32>
    %mul3A_462 = arith.mulf %bitcast_convert_type3A_443, %convert_element_type3A_454 : vector<512x128xf32>
    %mul3A_463 = arith.mulf %bitcast_convert_type3A_447, %convert_element_type3A_461 : vector<512x128xf32>
    %add3A_464 = arith.addf %mul3A_462, %mul3A_463 : vector<512x128xf32>
    %add3A_465 = arith.addf %add3A_434, %add3A_464 : vector<512x128xf32>
    %get3A_466 = arith.constant 0 : index
    %get3A_467 = arith.constant 6 : index
    %get3A_468 = arith.constant 0 : index
    %get3A_469 = vector.load %arg2[%get3A_466, %get3A_467, %get3A_468] : memref<512x8x128xi32, #tpu.memory_space<vmem>>, vector<512x1x128xi32>
    %get3A_470 = vector.shape_cast %get3A_469 : vector<512x1x128xi32> to vector<512x128xi32>
    %shift_left3A_471 = arith.constant 16 : i32
    %shift_left3A_472 = vector.broadcast %shift_left3A_471 : i32 to vector<512x128xi32>
    %shift_left3A_473 = arith.shli %get3A_470, %shift_left3A_472 : vector<512x128xi32>
    %bitcast_convert_type3A_474 = tpu.bitcast %shift_left3A_473 : vector<512x128xi32> -> vector<512x128xf32>
    %and3A_475 = arith.constant -65536 : i32
    %and3A_476 = vector.broadcast %and3A_475 : i32 to vector<512x128xi32>
    %and3A_477 = arith.andi %get3A_470, %and3A_476 : vector<512x128xi32>
    %bitcast_convert_type3A_478 = tpu.bitcast %and3A_477 : vector<512x128xi32> -> vector<512x128xf32>
    %add3A_479 = arith.constant 24 : i32
    %add3A_480 = vector.broadcast %add3A_479 : i32 to vector<512x128xi32>
    %add3A_481 = arith.addi %add3A_480, %mul3A_24 : vector<512x128xi32>
    %eq3A_482 = vector.broadcast %get3A_277 : vector<512x1xi32> to vector<512x128xi32>
    %eq3A_483 = arith.cmpi eq, %eq3A_482, %add3A_481 : vector<512x128xi32>
    %convert_element_type3A_484 = arith.extui %eq3A_483 : vector<512x128xi1> to vector<512x128xi32>
    %convert_element_type3A_485 = arith.sitofp %convert_element_type3A_484 : vector<512x128xi32> to vector<512x128xf32>
    %add3A_486 = arith.constant 1 : i32
    %add3A_487 = vector.broadcast %add3A_486 : i32 to vector<512x128xi32>
    %add3A_488 = arith.addi %add3A_481, %add3A_487 : vector<512x128xi32>
    %eq3A_489 = vector.broadcast %get3A_277 : vector<512x1xi32> to vector<512x128xi32>
    %eq3A_490 = arith.cmpi eq, %eq3A_489, %add3A_488 : vector<512x128xi32>
    %convert_element_type3A_491 = arith.extui %eq3A_490 : vector<512x128xi1> to vector<512x128xi32>
    %convert_element_type3A_492 = arith.sitofp %convert_element_type3A_491 : vector<512x128xi32> to vector<512x128xf32>
    %mul3A_493 = arith.mulf %bitcast_convert_type3A_474, %convert_element_type3A_485 : vector<512x128xf32>
    %mul3A_494 = arith.mulf %bitcast_convert_type3A_478, %convert_element_type3A_492 : vector<512x128xf32>
    %add3A_495 = arith.addf %mul3A_493, %mul3A_494 : vector<512x128xf32>
    %add3A_496 = arith.addf %add3A_465, %add3A_495 : vector<512x128xf32>
    %get3A_497 = arith.constant 0 : index
    %get3A_498 = arith.constant 7 : index
    %get3A_499 = arith.constant 0 : index
    %get3A_500 = vector.load %arg2[%get3A_497, %get3A_498, %get3A_499] : memref<512x8x128xi32, #tpu.memory_space<vmem>>, vector<512x1x128xi32>
    %get3A_501 = vector.shape_cast %get3A_500 : vector<512x1x128xi32> to vector<512x128xi32>
    %shift_left3A_502 = arith.constant 16 : i32
    %shift_left3A_503 = vector.broadcast %shift_left3A_502 : i32 to vector<512x128xi32>
    %shift_left3A_504 = arith.shli %get3A_501, %shift_left3A_503 : vector<512x128xi32>
    %bitcast_convert_type3A_505 = tpu.bitcast %shift_left3A_504 : vector<512x128xi32> -> vector<512x128xf32>
    %and3A_506 = arith.constant -65536 : i32
    %and3A_507 = vector.broadcast %and3A_506 : i32 to vector<512x128xi32>
    %and3A_508 = arith.andi %get3A_501, %and3A_507 : vector<512x128xi32>
    %bitcast_convert_type3A_509 = tpu.bitcast %and3A_508 : vector<512x128xi32> -> vector<512x128xf32>
    %add3A_510 = arith.constant 28 : i32
    %add3A_511 = vector.broadcast %add3A_510 : i32 to vector<512x128xi32>
    %add3A_512 = arith.addi %add3A_511, %mul3A_24 : vector<512x128xi32>
    %eq3A_513 = vector.broadcast %get3A_277 : vector<512x1xi32> to vector<512x128xi32>
    %eq3A_514 = arith.cmpi eq, %eq3A_513, %add3A_512 : vector<512x128xi32>
    %convert_element_type3A_515 = arith.extui %eq3A_514 : vector<512x128xi1> to vector<512x128xi32>
    %convert_element_type3A_516 = arith.sitofp %convert_element_type3A_515 : vector<512x128xi32> to vector<512x128xf32>
    %add3A_517 = arith.constant 1 : i32
    %add3A_518 = vector.broadcast %add3A_517 : i32 to vector<512x128xi32>
    %add3A_519 = arith.addi %add3A_512, %add3A_518 : vector<512x128xi32>
    %eq3A_520 = vector.broadcast %get3A_277 : vector<512x1xi32> to vector<512x128xi32>
    %eq3A_521 = arith.cmpi eq, %eq3A_520, %add3A_519 : vector<512x128xi32>
    %convert_element_type3A_522 = arith.extui %eq3A_521 : vector<512x128xi1> to vector<512x128xi32>
    %convert_element_type3A_523 = arith.sitofp %convert_element_type3A_522 : vector<512x128xi32> to vector<512x128xf32>
    %mul3A_524 = arith.mulf %bitcast_convert_type3A_505, %convert_element_type3A_516 : vector<512x128xf32>
    %mul3A_525 = arith.mulf %bitcast_convert_type3A_509, %convert_element_type3A_523 : vector<512x128xf32>
    %add3A_526 = arith.addf %mul3A_524, %mul3A_525 : vector<512x128xf32>
    %add3A_527 = arith.addf %add3A_496, %add3A_526 : vector<512x128xf32>
    %slice3A_528 = vector.extract_strided_slice %add3A_527 {offsets = [0, 0], sizes = [512, 64], strides = [1, 1]} : vector<512x128xf32> to vector<512x64xf32>
    %slice3A_529 = vector.extract_strided_slice %add3A_527 {offsets = [0, 64], sizes = [512, 64], strides = [1, 1]} : vector<512x128xf32> to vector<512x64xf32>
    %add3A_530 = arith.addf %slice3A_528, %slice3A_529 : vector<512x64xf32>
    %swap3A_531 = arith.constant 0 : index
    %swap3A_532 = arith.constant 0 : index
    %swap3A_533 = vector.load %arg6[%swap3A_531, %swap3A_532] : memref<512x64xf32, #tpu.memory_space<vmem>>, vector<512x64xf32>
    tpu.vector_store %arg6[%swap3A_531, %swap3A_532], %add3A_530 {strides = array<i32>} : memref<512x64xf32, #tpu.memory_space<vmem>>, vector<512x64xf32>,
    return
  }
  func.func @transform_0(%arg0: i32) -> (i32, i32, i32) {
    %c0_i32 = arith.constant 0 : i32
    %c0_i32_0 = arith.constant 0 : i32
    %c0_i32_1 = arith.constant 0 : i32
    return %arg0, %c0_i32, %c0_i32_0 : i32, i32, i32
  }
  func.func @transform_1(%arg0: i32) -> (i32, i32, i32) {
    %c0_i32 = arith.constant 0 : i32
    %c0_i32_0 = arith.constant 0 : i32
    %c0_i32_1 = arith.constant 0 : i32
    return %arg0, %c0_i32, %c0_i32_0 : i32, i32, i32
  }
  func.func @transform_2(%arg0: i32) -> (i32, i32) {
    %c0_i32 = arith.constant 0 : i32
    %c0_i32_0 = arith.constant 0 : i32
    return %arg0, %c0_i32 : i32, i32
  }
  func.func @transform_3(%arg0: i32) -> (i32, i32) {
    %c0_i32 = arith.constant 0 : i32
    %c0_i32_0 = arith.constant 0 : i32
    return %arg0, %c0_i32 : i32, i32
  }
  func.func @transform_4(%arg0: i32) -> (i32, i32) {
    %c0_i32 = arith.constant 0 : i32
    %c0_i32_0 = arith.constant 0 : i32
    return %arg0, %c0_i32 : i32, i32
  }
  func.func @transform_5(%arg0: i32) -> (i32, i32) {
    %c0_i32 = arith.constant 0 : i32
    %c0_i32_0 = arith.constant 0 : i32
    return %arg0, %c0_i32 : i32, i32
  }
}

module attributes {stable_mosaic.version = 14 : i64} {
  func.func @_score_body(%arg0: i32, %arg1: memref<512x64xf32, #tpu.memory_space<vmem>>, %arg2: memref<4096x64xf32, #tpu.memory_space<vmem>>, %arg3: memref<1x1xf32, #tpu.memory_space<smem>>) attributes {dimension_semantics = [#tpu.dimension_semantics<arbitrary>], iteration_bounds = array<i64: 8>, scalar_prefetch = 0 : i64, scratch_operands = 0 : i64, tpu.core_type = #tpu.core_type<tc>, window_params = [{transform_indices = @transform_0, window_bounds = array<i64: 512, 64>}, {pipeline_mode = #tpu.pipeline_mode<synchronous>, transform_indices = @transform_1, window_bounds = array<i64: 4096, 64>}, {transform_indices = @transform_2, window_bounds = array<i64: 1, 1>}]} {
    %get3A = arith.constant 0 : index
    %get3A_0 = arith.constant 0 : index
    %get3A_1 = vector.load %arg1[%get3A, %get3A_0] : memref<512x64xf32, #tpu.memory_space<vmem>>, vector<512x64xf32>
    %get3A_2 = arith.constant 0 : index
    %get3A_3 = arith.constant 0 : index
    %get3A_4 = vector.load %arg2[%get3A_2, %get3A_3] : memref<4096x64xf32, #tpu.memory_space<vmem>>, vector<4096x64xf32>
    %dot_general3A = arith.constant dense<0.000000e+00> : vector<512x4096xf32>
    %dot_general3A_5 = tpu.matmul %get3A_1, %get3A_4, %dot_general3A {dimension_numbers = #tpu.dot_dimension_numbers<[1], [1], [0], [0], [0, 0, 1, 0], [], []>, transpose_lhs_hint = false} : vector<512x64xf32>, vector<4096x64xf32>, vector<512x4096xf32> -> vector<512x4096xf32>
    %neg3A = arith.constant 0.000000e+00 : f32
    %neg3A_6 = vector.broadcast %neg3A : f32 to vector<512x4096xf32>
    %neg3A_7 = arith.subf %neg3A_6, %dot_general3A_5 : vector<512x4096xf32>
    %max3A = arith.constant 0.000000e+00 : f32
    %max3A_8 = vector.broadcast %max3A : f32 to vector<512x4096xf32>
    %max3A_9 = arith.maximumf %neg3A_7, %max3A_8 : vector<512x4096xf32>
    %abs3A = math.absf %dot_general3A_5 : vector<512x4096xf32>
    %neg3A_10 = arith.constant 0.000000e+00 : f32
    %neg3A_11 = vector.broadcast %neg3A_10 : f32 to vector<512x4096xf32>
    %neg3A_12 = arith.subf %neg3A_11, %abs3A : vector<512x4096xf32>
    %exp3A = math.exp %neg3A_12 : vector<512x4096xf32>
    %log1p3A = math.log1p %exp3A : vector<512x4096xf32>
    %add3A = arith.addf %max3A_9, %log1p3A : vector<512x4096xf32>
    %reduce_sum3A = vector.shape_cast %add3A : vector<512x4096xf32> to vector<1x512x4096xf32>
    %reduce_sum3A_13 = arith.constant dense<0.000000e+00> : vector<1xf32>
    %reduce_sum3A_14 = vector.multi_reduction <add>, %reduce_sum3A, %reduce_sum3A_13 [1, 2] : vector<1x512x4096xf32> to vector<1xf32>
    %reduce_sum3A_15 = vector.shape_cast %reduce_sum3A_14 : vector<1xf32> to vector<1x1x1xf32>
    %reduce_sum3A_16 = vector.extract %reduce_sum3A_15[0, 0, 0] : f32 from vector<1x1x1xf32>
    %eq3A = arith.constant 0 : i32
    %eq3A_17 = arith.cmpi eq, %arg0, %eq3A : i32
    %convert_element_type3A = arith.extui %eq3A_17 : i1 to i32
    %cond3A = arith.constant 0 : i32
    %cond3A_18 = arith.cmpi ne, %convert_element_type3A, %cond3A : i32
    scf.if %cond3A_18 {
      %swap3A_25 = arith.constant 0.000000e+00 : f32
      %swap3A_26 = arith.constant 0 : index
      %swap3A_27 = arith.constant 0 : index
      %swap3A_28 = memref.load %arg3[%swap3A_26, %swap3A_27] : memref<1x1xf32, #tpu.memory_space<smem>>
      memref.store %swap3A_25, %arg3[%swap3A_26, %swap3A_27] : memref<1x1xf32, #tpu.memory_space<smem>>
    } else {
    }
    %get3A_19 = arith.constant 0 : index
    %get3A_20 = arith.constant 0 : index
    %get3A_21 = memref.load %arg3[%get3A_19, %get3A_20] : memref<1x1xf32, #tpu.memory_space<smem>>
    %add3A_22 = arith.addf %get3A_21, %reduce_sum3A_16 : f32
    %swap3A = arith.constant 0 : index
    %swap3A_23 = arith.constant 0 : index
    %swap3A_24 = memref.load %arg3[%swap3A, %swap3A_23] : memref<1x1xf32, #tpu.memory_space<smem>>
    memref.store %add3A_22, %arg3[%swap3A, %swap3A_23] : memref<1x1xf32, #tpu.memory_space<smem>>
    return
  }
  func.func @transform_0(%arg0: i32) -> (i32, i32) {
    %c0_i32 = arith.constant 0 : i32
    %c0_i32_0 = arith.constant 0 : i32
    return %arg0, %c0_i32 : i32, i32
  }
  func.func @transform_1(%arg0: i32) -> (i32, i32) {
    %c0_i32 = arith.constant 0 : i32
    %c0_i32_0 = arith.constant 0 : i32
    %c0_i32_1 = arith.constant 0 : i32
    return %c0_i32, %c0_i32_0 : i32, i32
  }
  func.func @transform_2(%arg0: i32) -> (i32, i32) {
    %c0_i32 = arith.constant 0 : i32
    %c0_i32_0 = arith.constant 0 : i32
    %c0_i32_1 = arith.constant 0 : i32
    return %c0_i32, %c0_i32_0 : i32, i32
  }
}

</mosaic_0001>

<sc_bundles>
// kernel: kernel.6.cloned.1.call-start
scs
__scs_entry_jumppad:
0x0: {  	(pc) =	sbr.rel $0x88, $3  }
0x1: {  	(tag) =	ssettag $0x0;
	lr =	simm.s32 $0x1  }
0x2: {  	[smem:$0x3F9D] =	sst lr;
	_ =	strace $0xD0000000  }
0x3: {  	_ = 	snop  }
0x4: {  	_ = 	snop  }
0x5: {  	_ = 	snop  }
0x6: {  	_ = 	snop  }
0x7: {  	_ = 	snop  }
__scs_overlays_trampoline_lowered:
0x8: {  	[smem:$0x3FAC] =	sst s0  }
0x9: {  	[smem:$0x3FAD] =	sst s1  }
0xa: {  	[smem:$0x3FAE] =	sst s2  }
0xb: {  	[smem:$0x3FAF] =	sst s3  }
0xc: {  	[smem:$0x3FB0] =	sst s4  }
0xd: {  	[smem:$0x3FB1] =	sst s5  }
0xe: {  	[smem:$0x3FB2] =	sst s6  }
0xf: {  	[smem:$0x3FB3] =	sst s7  }
0x10: {  	[smem:$0x3FB4] =	sst s8  }
0x11: {  	[smem:$0x3FB5] =	sst s9;
	s0 =	simm.s32 @!p0 $0x0  }
0x12: {  	s1 =	sld [smem:$0x3F9B];
	s0 =	simm.s32 @p0 $0x1  }
0x13: {  	[smem:$0x3FB6] =	sst s0;
	s0 =	simm.s32 @!p1 $0x0  }
0x14: {  	s2 =	sld [smem:$0x3F9A];
	s0 =	simm.s32 @p1 $0x1  }
0x15: {  	[smem:$0x3FB7] =	sst s0;
	s0 =	simm.s32 @!p2 $0x0  }
0x16: {  	s3 =	sld [smem:$0x3FDB];
	s0 =	simm.s32 @p2 $0x1  }
0x17: {  	s4 =	simm.s32 $0x1BF5;
	[smem:$0x3FB9] =	sst s0  }
0x18: {  	s0 =	sld [smem:$0x3F9C];
	_ =	swait.ge [sflag:s4], $0x0  }
0x19: {  	s7 =	sld [smem:$0x3F9D]  }
0x1a: {  	s8 =	sadd.s32 $0xFFFFE003, lr  }
0x1b: {  	s9 =	sadd.s32 $0xFFFFFEF7, lr;
	s5 =	simm.s32 $0xFFFFFFFF;
	p2 =	slt.u32 s8, $0xFFFFF086  }
0x1c: {  	p1 =	slt.u32 s9, $0xF7A;
	s5 =	simm.s32 @!p2 $0x0  }
0x1d: {  	s5 =	simm.s32 @p1 $0x1;
	p0 =	seq.s32 s7, s2  }
0x1e: {  	s7 =	smul.u32 @!p0 $0xF7A, s2;
	p2 =	seq.s32 @!p0 s5, $0x0  }
0x1f: {  	s9 =	smul.u32 $0xF7A, s1;
	s8 =	simm.s32 @!p0 $0x1BF5;
	p2 =	por !p2, p0  }
0x20: {  	[sflag:s8] =	ssyncset.s32 @!p0 $0xFFFFF086;
	s6 =	sadd.s32 @!p0 s3, s7;
	s7 =	simm.s32 @!p0 $0x108  }
0x21: {  	s3 =	sadd.s32 s3, s9;
	s6 =	sadd.s32 @!p0 $0x88, s6;
	s7 =	simm.s32 @p2 $0x1082  }
0x22: {  	[simem:s7], [sflag:s8] =	dma.local @!p0 [hbm:s6], $0xF7A  }
0x23: {  	s9 =	sor.u32 $0xD0000000, s2;
	s6 =	simm.s32 $0x108;
	_ =	swait.ge @!p0 [sflag:s8], $0x0  }
0x24: {  	s3 =	sadd.s32 $0x88, s3;
	s6 =	simm.s32 @!p1 $0x1082;
	[sflag:s4] =	ssyncset.s32 $0xFFFFF086  }
0x25: {  	[simem:s6], [sflag:s4] =	dma.local [hbm:s3], $0xF7A  }
0x26: {  	[smem:$0x3F9D] =	sst s1;
	(tag) =	ssettag s2;
	_ =	strace s9  }
0x27: {  	s1 =	sld [smem:$0x3FAD]  }
0x28: {  	s2 =	sld [smem:$0x3FAE]  }
0x29: {  	s4 =	sld [smem:$0x3FB0]  }
0x2a: {  	p0 =	seq.s32 s5, $0x0;
	s5 =	sld [smem:$0x3FB1]  }
0x2b: {  	s6 =	sld [smem:$0x3FB2]  }
0x2c: {  	s7 =	sld [smem:$0x3FB3]  }
0x2d: {  	s3 =	simm.s32 $0x108;
	s8 =	sld [smem:$0x3FB4]  }
0x2e: {  	s3 =	simm.s32 @!p0 $0x1082;
	s9 =	sld [smem:$0x3FB5]  }
0x2f: {  	lr =	sadd.s32 s0, s3;
	s0 =	sld [smem:$0x3FAC]  }
0x30: {  	s3 =	sld [smem:$0x3FAF]  }
0x31: {  	[smem:$0x3FB8] =	sst s10  }
0x32: {  	s10 =	sld [smem:$0x3FB6];
	_ =	sdelay $0x3  }
0x33: {  	p0 =	seq.s32 s10, $0x1;
	s10 =	sld [smem:$0x3FB8];
	_ =	sdelay $0x3  }
0x34: {  	[smem:$0x3FB8] =	sst s10  }
0x35: {  	s10 =	sld [smem:$0x3FB7];
	_ =	sdelay $0x3  }
0x36: {  	p1 =	seq.s32 s10, $0x1;
	s10 =	sld [smem:$0x3FB8];
	_ =	sdelay $0x3  }
0x37: {  	[smem:$0x3FB8] =	sst s10  }
0x38: {  	s10 =	sld [smem:$0x3FB9]  }
0x39: {  	_ = 	snop;
	(pc) =	sbr.ind lr, $3  }
0x3a: {  	_ = 	snop  }
0x3b: {  	_ = 	snop  }
0x3c: {  	p2 =	seq.s32 s10, $0x1;
	s10 =	sld [smem:$0x3FB8]  }
0x3d: {  	_ =	shalt  }
0x3e: {  	_ =	shalt  }
0x3f: {  	_ =	shalt  }
0x40: {  	_ =	shalt  }
0x41: {  	_ =	shalt  }
0x42: {  	_ =	shalt  }
0x43: {  	_ =	shalt  }
0x44: {  	_ =	shalt  }
0x45: {  	_ =	shalt  }
0x46: {  	_ =	shalt  }
0x47: {  	_ =	shalt  }
0x48: {  	_ =	shalt  }
0x49: {  	_ =	shalt  }
0x4a: {  	_ =	shalt  }
0x4b: {  	_ =	shalt  }
0x4c: {  	_ =	shalt  }
0x4d: {  	_ =	shalt  }
0x4e: {  	_ =	shalt  }
0x4f: {  	_ =	shalt  }
0x50: {  	_ =	shalt  }
0x51: {  	_ =	shalt  }
0x52: {  	_ =	shalt  }
0x53: {  	_ =	shalt  }
0x54: {  	_ =	shalt  }
0x55: {  	_ =	shalt  }
0x56: {  	_ =	shalt  }
0x57: {  	_ =	shalt  }
0x58: {  	_ =	shalt  }
0x59: {  	_ =	shalt  }
0x5a: {  	_ =	shalt  }
0x5b: {  	_ =	shalt  }
0x5c: {  	_ =	shalt  }
0x5d: {  	_ =	shalt  }
0x5e: {  	_ =	shalt  }
0x5f: {  	_ =	shalt  }
0x60: {  	_ =	shalt  }
0x61: {  	_ =	shalt  }
0x62: {  	_ =	shalt  }
0x63: {  	_ =	shalt  }
0x64: {  	_ =	shalt  }
0x65: {  	_ =	shalt  }
0x66: {  	_ =	shalt  }
0x67: {  	_ =	shalt  }
0x68: {  	_ =	shalt  }
0x69: {  	_ =	shalt  }
0x6a: {  	_ =	shalt  }
0x6b: {  	_ =	shalt  }
0x6c: {  	_ =	shalt  }
0x6d: {  	_ =	shalt  }
0x6e: {  	_ =	shalt  }
0x6f: {  	_ =	shalt  }
0x70: {  	_ =	shalt  }
0x71: {  	_ =	shalt  }
0x72: {  	_ =	shalt  }
0x73: {  	_ =	shalt  }
0x74: {  	_ =	shalt  }
0x75: {  	_ =	shalt  }
0x76: {  	_ =	shalt  }
0x77: {  	_ =	shalt  }
0x78: {  	_ =	shalt  }
0x79: {  	_ =	shalt  }
0x7a: {  	_ =	shalt  }
0x7b: {  	_ =	shalt  }
0x7c: {  	_ =	shalt  }
0x7d: {  	_ =	shalt  }
0x7e: {  	_ =	shalt  }
0x7f: {  	_ =	shalt  }
0x80: {  	_ =	shalt  }
0x81: {  	_ =	shalt  }
0x82: {  	_ =	shalt  }
0x83: {  	_ =	shalt  }
0x84: {  	_ =	shalt  }
0x85: {  	_ =	shalt  }
0x86: {  	_ =	shalt  }
0x87: {  	_ =	shalt  }
.Lfunc_end0:
.L_simem_size_0:
called_computation_lowered:
.L_overlay_start_0:
0x88: {  	s2 =	sld [smem:$0x3FD9]  }
0x89: {  	s3 =	sld [smem:$0x3FFE];
	_ =	sdelay $0x1  }
0x8a: {  	s1 =	srdreg.scid  }
0x8b: {  	s0 =	sand.u32 $0x1, s1  }
0x8c: {  	s16 =	sshll.u32 s0, $0xA;
	s2 =	sadd.s32 s3, s2  }
0x8d: {  	s2 =	sadd.s32 s2, s16  }
0x8e: {  	[smem:$0x3FC4] =	sst s2  }
0x8f: {  	_ = 	snop  }
0x90: {  	(tm) =	ssettm $0x1  }
0x91: {  	s17 =	sld [smem:$0x3FFB];
	_ =	sdelay $0x3  }
0x92: {  	_ =	strace s17  }
0x93: {  	s2 =	sld [smem:$0x3FFC];
	_ =	sdelay $0x3  }
0x94: {  	_ =	strace s2  }
0x95: {  	s2 =	sld [smem:$0x3FFD];
	_ =	sdelay $0x3  }
0x96: {  	_ =	strace s2  }
0x97: {  	_ =	strace $0x8FFFFFFF  }
0x98: {  	s18 =	sld [smem:$0x3FDB];
	_ =	sdelay $0x1  }
0x99: {  	s19 =	simm.s32 $_scs_section_size  }
0x9a: {  	s4 =	simm.s32 $_size__tile_overlayer_lowered;
	s5 =	simm.s32 $_tile_overlayer_lowered  }
0x9b: {  	s22 =	simm.s32 $0x1BFF;
	s21 =	sshll.u32 s5, $0x1;
	s2 =	sadd.s32 s19, s18  }
0x9c: {  	s6 =	simm.s32 $0x0;
	s20 =	sshll.u32 s4, $0x1;
	s4 =	sadd.s32 s21, s2  }
0x9d: {  	[timem:s6], [sflag:s22] =	dma.local [hbm:s4], s20  }
0x9e: {  	_ =	swait.ge [sflag:s22], s20  }
0x9f: {  	s3 =	ssub.s32 $0x0, s20;
	[sflag:s22] =	ssyncset.done $0x0  }
0xa0: {  	[sflag:s22] =	ssyncadd.s32 s3;
	_ =	sdelay $0x1  }
0xa1: {  	s23 =	simm.s32 $0x1B8B  }
0xa2: {  	_ =	swait.ge [sflag:s23], $0x1  }
0xa3: {  	[sflag:s23] =	ssyncset.done $0x0  }
0xa4: {  	s25 =	simm.s32 $0x1B8E;
	s24 =	sld [smem:$0x3FFE];
	[sflag:s23] =	ssyncadd.s32 $0xFFFFFFFF  }
0xa5: {  	s26 =	simm.s32 $execute0_lowered;
	[smem:$0x3FD2] =	sst s25  }
0xa6: {  	s4 =	sshll.u32 s26, $0x1;
	_ =	strace $0x80000046;
	[dreg:$0x1] =	wrdreg $0xFFFFFFFF  }
0xa7: {  	s28 =	simm.s32 $_size_execute0_lowered;
	s2 =	sadd.s32 s2, s4;
	[dreg:$0x0] =	wrdreg $0x0  }
0xa8: {  	s4 =	sshll.u32 s28, $0x1;
	[dreg:$0x2] =	wrdreg s2  }
0xa9: {  	[dreg:$0x3] =	wrdreg s4  }
0xaa: {  	[dreg:$0x4] =	wrdreg $0xC0  }
0xab: {  	_ =	task [dreg:s6], $0x5FFFF  }
0xac: {  	[dreg:$0x1] =	wrdreg $0xFFFFFFFF  }
0xad: {  	[dreg:$0x0] =	wrdreg $0x60  }
0xae: {  	[dreg:$0x2] =	wrdreg s24  }
0xaf: {  	[dreg:$0x3] =	wrdreg $0x9  }
0xb0: {  	_ =	task.clear_ibuf [dreg:s6], $0x4FFFF;
	_ =	strace $0x90000046  }
0xb1: {  	s29 =	simm.s32 $0x9;
	_ =	strace $0x80000048  }
0xb2: {  	_ =	swait.ge [sflag:s29], $0x1  }
0xb3: {  	[sflag:s29] =	ssyncadd.s32 $0xFFFFFFFF  }
0xb4: {  	_ =	strace $0x90000048  }
0xb5: {  	_ =	sfence  }
0xb6: {  	s30 =	sld [smem:$0x0];
	_ =	sdelay $0x2  }
0xb7: {  	s31 =	sshll.u32 s1, $0xD;
	s1 =	sshrl.u32 s1, $0x2  }
0xb8: {  	s3 =	sand.u32 $0x4000, s31;
	s1 =	sadd.s32 s1, s30  }
0xb9: {  	s0 =	sor.u32 s3, s0;
	s1 =	sshll.u32 s1, $0x11  }
0xba: {  	s0 =	sor.u32 s1, s0  }
0xbb: {  	s0 =	sadd.s32 $0x8F2B, s0  }
0xbc: {  	[sflag:s0] =	ssyncadd.remote.s32 $0x1  }
0xbd: {  	_ =	sfence.sel $0xFFFF  }
0xbe: {  	[dreg:$0x0] =	wrdreg $0xFFFFFFFF;
	(pc) =	sbr.abs _section_cstart, $3  }
0xbf: {  	[dreg:$0x1] =	wrdreg $0xFFFFFFFF  }
0xc0: {  	_ =	task.clear_ibuf [dreg:s6], $0x2FFFF;
	_ =	strace $0x9FFFFFFF  }
0xc1: {  	(tm) =	ssettm $0x7FFFFFFF  }
tec
execute0_lowered:
.L_overlay_start_1:
0x0: {  	(tag) =	ssettag $0x1  }
0x1: {  	s1 =	srdreg.scid  }
0x2: {  	s0 =	stileid.u32;
	s25 =	sand.u32 $0x1, s1  }
0x3: {  	s30 =	sshll.u32 s0, $0x8;
	s2 =	sshll.u32 s25, $0x7  }
0x4: {  	s15 =	rddreg [dreg:$0x0];
	s14 =	sor.u32 s2, s30  }
0x5: {  	s1 =	rddreg [dreg:$0x1];
	s2 =	simm.s32 $0x0;
	s3 =	sshrl.u32 s14, $0x3  }
0x6: {  	[smem:$0x7FF] =	sst s2;
	s5 =	sadd.s32 s3, s15  }
0x7: {  	_ =	strace $0x80000047;
	s3 =	simm.s32 $0x3;
	s4 =	sadd.s32 $0x1800, s5  }
0x8: {  	[tilespmem:s2], [sflag:$0x3] =	stream.linear.gather [hbm4b:s4+s2], $0x80, $0x38;
	[tilespmem:$0x10100] =	vst v63  }
0x9: {  	_ =	swait.ge [sflag:s3], $0x80  }
0xa: {  	[sflag:s3] =	ssyncset.done $0x0  }
0xb: {  	s6 =	simm.s32 $0x80;
	s5 =	sadd.s32 $0x1600, s5;
	[sflag:s3] =	ssyncadd.s32 $0xFFFFFF80  }
0xc: {  	[tilespmem:s6], [sflag:$0x3] =	stream.linear.gather [hbm4b:s5+s2], $0x80, $0x38;
	[tilespmem:$0x10100] =	vst v63  }
0xd: {  	_ =	swait.ge [sflag:s3], $0x80  }
0xe: {  	s8 =	simm.s32 $0x20;
	[sflag:s3] =	ssyncset.done $0x0  }
0xf: {  	s9 =	simm.s32 $0x100;
	s7 =	sadd.s32 $0x1A00, s15;
	[sflag:s3] =	ssyncadd.s32 $0xFFFFFF80  }
0x10: {  	[tilespmem:s9], [sflag:$0x1] =	stream.indirect.gather [hbm4b:s7+s8], $0x400, s2, s8, $0xb8;
	[tilespmem:$0x10100] =	vst v63  }
0x11: {  	s11 =	simm.s32 $0x8100;
	s12 =	simm.s32 $0x1;
	s10 =	sadd.s32 $0x3D9A00, s15  }
0x12: {  	[tilespmem:s11], [sflag:$0x2] =	stream.indirect.gather [hbm4b:s10+s8], $0x400, s6, s8, $0xb8;
	[tilespmem:$0x10100] =	vst v63  }
0x13: {  	_ =	swait.ge [sflag:s12], $0x8000  }
0x14: {  	[sflag:s12] =	ssyncset.done $0x0  }
0x15: {  	s13 =	simm.s32 $0x2;
	[sflag:s12] =	ssyncadd.s32 $0xFFFF8000  }
0x16: {  	_ =	swait.ge [sflag:s13], $0x8000  }
0x17: {  	s26 =	sadd.s32 $0x7B1A00, s15;
	s29 =	sshll.u32 s14, $0x7;
	[sflag:s13] =	ssyncset.done $0x0  }
0x18: {  	s14 =	sadd.s32 s26, s29;
	[sflag:s13] =	ssyncadd.s32 $0xFFFF8000  }
0x19: {  	[hbm4b:s14+s2] =	stream.linear.scatter [tilespmem:s9], [sflag:$0x3], $0x8000, $0x38;
	[tilespmem:$0x10100] =	vst v63  }
0x1a: {  	_ =	swait.ge [sflag:s3], $0x8000  }
0x1b: {  	s28 =	sadd.s32 $0x831A00, s15;
	[sflag:s3] =	ssyncset.done $0x0  }
0x1c: {  	s15 =	sadd.s32 s28, s29;
	[sflag:s3] =	ssyncadd.s32 $0xFFFF8000  }
0x1d: {  	[hbm4b:s15+s2] =	stream.linear.scatter [tilespmem:s11], [sflag:$0x3], $0x8000, $0x38;
	[tilespmem:$0x10100] =	vst v63  }
0x1e: {  	_ =	swait.ge [sflag:s3], $0x8000  }
0x1f: {  	[sflag:s3] =	ssyncset.done $0x0  }
0x20: {  	[sflag:s3] =	ssyncadd.s32 $0xFFFF8000  }
0x21: {  	[tilespmem:s9], [sflag:$0x1] =	stream.indirect.gather [hbm4b:s7+s8], $0x400, s8, s8, $0xb8;
	[tilespmem:$0x10100] =	vst v63  }
0x22: {  	s16 =	simm.s32 $0xA0  }
0x23: {  	[tilespmem:s11], [sflag:$0x2] =	stream.indirect.gather [hbm4b:s10+s8], $0x400, s16, s8, $0xb8;
	[tilespmem:$0x10100] =	vst v63  }
0x24: {  	_ =	swait.ge [sflag:s12], $0x8000  }
0x25: {  	[sflag:s12] =	ssyncset.done $0x0  }
0x26: {  	[sflag:s12] =	ssyncadd.s32 $0xFFFF8000  }
0x27: {  	_ =	swait.ge [sflag:s13], $0x8000  }
0x28: {  	s18 =	sor.u32 $0x1000, s29;
	[sflag:s13] =	ssyncset.done $0x0  }
0x29: {  	s17 =	sadd.s32 s26, s18;
	[sflag:s13] =	ssyncadd.s32 $0xFFFF8000  }
0x2a: {  	[hbm4b:s17+s2] =	stream.linear.scatter [tilespmem:s9], [sflag:$0x3], $0x8000, $0x38;
	[tilespmem:$0x10100] =	vst v63  }
0x2b: {  	_ =	swait.ge [sflag:s3], $0x8000  }
0x2c: {  	[sflag:s3] =	ssyncset.done $0x0  }
0x2d: {  	s18 =	sadd.s32 s28, s18;
	[sflag:s3] =	ssyncadd.s32 $0xFFFF8000  }
0x2e: {  	[hbm4b:s18+s2] =	stream.linear.scatter [tilespmem:s11], [sflag:$0x3], $0x8000, $0x38;
	[tilespmem:$0x10100] =	vst v63  }
0x2f: {  	_ =	swait.ge [sflag:s3], $0x8000  }
0x30: {  	[sflag:s3] =	ssyncset.done $0x0  }
0x31: {  	s19 =	simm.s32 $0x40;
	[sflag:s3] =	ssyncadd.s32 $0xFFFF8000  }
0x32: {  	[tilespmem:s9], [sflag:$0x1] =	stream.indirect.gather [hbm4b:s7+s8], $0x400, s19, s8, $0xb8;
	[tilespmem:$0x10100] =	vst v63  }
0x33: {  	s20 =	simm.s32 $0xC0  }
0x34: {  	[tilespmem:s11], [sflag:$0x2] =	stream.indirect.gather [hbm4b:s10+s8], $0x400, s20, s8, $0xb8;
	[tilespmem:$0x10100] =	vst v63  }
0x35: {  	_ =	swait.ge [sflag:s12], $0x8000  }
0x36: {  	[sflag:s12] =	ssyncset.done $0x0  }
0x37: {  	[sflag:s12] =	ssyncadd.s32 $0xFFFF8000  }
0x38: {  	_ =	swait.ge [sflag:s13], $0x8000  }
0x39: {  	s22 =	sor.u32 $0x2000, s29;
	[sflag:s13] =	ssyncset.done $0x0  }
0x3a: {  	s21 =	sadd.s32 s26, s22;
	[sflag:s13] =	ssyncadd.s32 $0xFFFF8000  }
0x3b: {  	[hbm4b:s21+s2] =	stream.linear.scatter [tilespmem:s9], [sflag:$0x3], $0x8000, $0x38;
	[tilespmem:$0x10100] =	vst v63  }
0x3c: {  	_ =	swait.ge [sflag:s3], $0x8000  }
0x3d: {  	[sflag:s3] =	ssyncset.done $0x0  }
0x3e: {  	s22 =	sadd.s32 s28, s22;
	[sflag:s3] =	ssyncadd.s32 $0xFFFF8000  }
0x3f: {  	[hbm4b:s22+s2] =	stream.linear.scatter [tilespmem:s11], [sflag:$0x3], $0x8000, $0x38;
	[tilespmem:$0x10100] =	vst v63  }
0x40: {  	_ =	swait.ge [sflag:s3], $0x8000  }
0x41: {  	[sflag:s3] =	ssyncset.done $0x0  }
0x42: {  	s23 =	simm.s32 $0x60;
	[sflag:s3] =	ssyncadd.s32 $0xFFFF8000  }
0x43: {  	[tilespmem:s9], [sflag:$0x1] =	stream.indirect.gather [hbm4b:s7+s8], $0x400, s23, s8, $0xb8;
	[tilespmem:$0x10100] =	vst v63  }
0x44: {  	s24 =	simm.s32 $0xE0  }
0x45: {  	[tilespmem:s11], [sflag:$0x2] =	stream.indirect.gather [hbm4b:s10+s8], $0x400, s24, s8, $0xb8;
	[tilespmem:$0x10100] =	vst v63  }
0x46: {  	_ =	swait.ge [sflag:s12], $0x8000  }
0x47: {  	[sflag:s12] =	ssyncset.done $0x0  }
0x48: {  	s30 =	ssub.s32 $0x2, s25;
	[sflag:s12] =	ssyncadd.s32 $0xFFFF8000  }
0x49: {  	s31 =	sshrl.u32 s30, $0x1;
	s29 =	sor.u32 $0x3000, s29;
	_ =	swait.ge [sflag:s13], $0x8000  }
0x4a: {  	s30 =	ssub.s32 s30, s31;
	s25 =	sadd.s32 s26, s29;
	[sflag:s13] =	ssyncset.done $0x0  }
0x4b: {  	s26 =	sadd.s32 s28, s29;
	s28 =	smax.u32 s30, $0x1;
	[sflag:s13] =	ssyncadd.s32 $0xFFFF8000  }
0x4c: {  	[hbm4b:s25+s2] =	stream.linear.scatter [tilespmem:s9], [sflag:$0x3], $0x8000, $0x38;
	[tilespmem:$0x10100] =	vst v63  }
0x4d: {  	p0 =	sne.s32 s28, $0x1;
	_ =	swait.ge [sflag:s3], $0x8000  }
.Ltmp0:
0x4e: {  	[sflag:s3] =	ssyncset.done $0x0;
	(pc) =	sbr.rel @!p0 .LBB2_2-.Ltmp0, $4  }
0x4f: {  	[sflag:s3] =	ssyncadd.s32 $0xFFFF8000  }
0x50: {  	[hbm4b:s26+s2] =	stream.linear.scatter [tilespmem:s11], [sflag:$0x3], $0x8000, $0x38;
	[tilespmem:$0x10100] =	vst v63  }
0x51: {  	_ =	swait.ge [sflag:s3], $0x8000  }
0x52: {  	s28 =	sadd.s32 $0xFFFFFFFF, s28;
	[sflag:s3] =	ssyncset.done $0x0  }
.LBB2_1:
0x53: {  	p0 =	sne.s32 s28, $0x1;
	s28 =	sadd.s32 $0xFFFFFFFF, s28;
	[sflag:s3] =	ssyncadd.s32 $0xFFFF8000  }
0x54: {  	[tilespmem:s2], [sflag:$0x3] =	stream.linear.gather [hbm4b:s4+s2], $0x80, $0x38;
	[tilespmem:$0x10100] =	vst v63  }
0x55: {  	_ =	swait.ge [sflag:s3], $0x80  }
0x56: {  	[sflag:s3] =	ssyncset.done $0x0  }
0x57: {  	[sflag:s3] =	ssyncadd.s32 $0xFFFFFF80  }
0x58: {  	[tilespmem:s6], [sflag:$0x3] =	stream.linear.gather [hbm4b:s5+s2], $0x80, $0x38;
	[tilespmem:$0x10100] =	vst v63  }
0x59: {  	_ =	swait.ge [sflag:s3], $0x80  }
0x5a: {  	[sflag:s3] =	ssyncset.done $0x0  }
0x5b: {  	[sflag:s3] =	ssyncadd.s32 $0xFFFFFF80  }
0x5c: {  	[tilespmem:s9], [sflag:$0x1] =	stream.indirect.gather [hbm4b:s7+s8], $0x400, s2, s8, $0xb8;
	[tilespmem:$0x10100] =	vst v63  }
0x5d: {  	_ = 	snop  }
0x5e: {  	[tilespmem:s11], [sflag:$0x2] =	stream.indirect.gather [hbm4b:s10+s8], $0x400, s6, s8, $0xb8;
	[tilespmem:$0x10100] =	vst v63  }
0x5f: {  	_ =	swait.ge [sflag:s12], $0x8000  }
0x60: {  	[sflag:s12] =	ssyncset.done $0x0  }
0x61: {  	[sflag:s12] =	ssyncadd.s32 $0xFFFF8000  }
0x62: {  	_ =	swait.ge [sflag:s13], $0x8000  }
0x63: {  	[sflag:s13] =	ssyncset.done $0x0  }
0x64: {  	[sflag:s13] =	ssyncadd.s32 $0xFFFF8000  }
0x65: {  	[hbm4b:s14+s2] =	stream.linear.scatter [tilespmem:s9], [sflag:$0x3], $0x8000, $0x38;
	[tilespmem:$0x10100] =	vst v63  }
0x66: {  	_ =	swait.ge [sflag:s3], $0x8000  }
0x67: {  	[sflag:s3] =	ssyncset.done $0x0  }
0x68: {  	[sflag:s3] =	ssyncadd.s32 $0xFFFF8000  }
0x69: {  	[hbm4b:s15+s2] =	stream.linear.scatter [tilespmem:s11], [sflag:$0x3], $0x8000, $0x38;
	[tilespmem:$0x10100] =	vst v63  }
0x6a: {  	_ =	swait.ge [sflag:s3], $0x8000  }
0x6b: {  	[sflag:s3] =	ssyncset.done $0x0  }
0x6c: {  	[sflag:s3] =	ssyncadd.s32 $0xFFFF8000  }
0x6d: {  	[tilespmem:s9], [sflag:$0x1] =	stream.indirect.gather [hbm4b:s7+s8], $0x400, s8, s8, $0xb8;
	[tilespmem:$0x10100] =	vst v63  }
0x6e: {  	_ = 	snop  }
0x6f: {  	[tilespmem:s11], [sflag:$0x2] =	stream.indirect.gather [hbm4b:s10+s8], $0x400, s16, s8, $0xb8;
	[tilespmem:$0x10100] =	vst v63  }
0x70: {  	_ =	swait.ge [sflag:s12], $0x8000  }
0x71: {  	[sflag:s12] =	ssyncset.done $0x0  }
0x72: {  	[sflag:s12] =	ssyncadd.s32 $0xFFFF8000  }
0x73: {  	_ =	swait.ge [sflag:s13], $0x8000  }
0x74: {  	[sflag:s13] =	ssyncset.done $0x0  }
0x75: {  	[sflag:s13] =	ssyncadd.s32 $0xFFFF8000  }
0x76: {  	[hbm4b:s17+s2] =	stream.linear.scatter [tilespmem:s9], [sflag:$0x3], $0x8000, $0x38;
	[tilespmem:$0x10100] =	vst v63  }
0x77: {  	_ =	swait.ge [sflag:s3], $0x8000  }
0x78: {  	[sflag:s3] =	ssyncset.done $0x0  }
0x79: {  	[sflag:s3] =	ssyncadd.s32 $0xFFFF8000  }
0x7a: {  	[hbm4b:s18+s2] =	stream.linear.scatter [tilespmem:s11], [sflag:$0x3], $0x8000, $0x38;
	[tilespmem:$0x10100] =	vst v63  }
0x7b: {  	_ =	swait.ge [sflag:s3], $0x8000  }
0x7c: {  	[sflag:s3] =	ssyncset.done $0x0  }
0x7d: {  	[sflag:s3] =	ssyncadd.s32 $0xFFFF8000  }
0x7e: {  	[tilespmem:s9], [sflag:$0x1] =	stream.indirect.gather [hbm4b:s7+s8], $0x400, s19, s8, $0xb8;
	[tilespmem:$0x10100] =	vst v63  }
0x7f: {  	_ = 	snop  }
0x80: {  	[tilespmem:s11], [sflag:$0x2] =	stream.indirect.gather [hbm4b:s10+s8], $0x400, s20, s8, $0xb8;
	[tilespmem:$0x10100] =	vst v63  }
0x81: {  	_ =	swait.ge [sflag:s12], $0x8000  }
0x82: {  	[sflag:s12] =	ssyncset.done $0x0  }
0x83: {  	[sflag:s12] =	ssyncadd.s32 $0xFFFF8000  }
0x84: {  	_ =	swait.ge [sflag:s13], $0x8000  }
0x85: {  	[sflag:s13] =	ssyncset.done $0x0  }
0x86: {  	[sflag:s13] =	ssyncadd.s32 $0xFFFF8000  }
0x87: {  	[hbm4b:s21+s2] =	stream.linear.scatter [tilespmem:s9], [sflag:$0x3], $0x8000, $0x38;
	[tilespmem:$0x10100] =	vst v63  }
0x88: {  	_ =	swait.ge [sflag:s3], $0x8000  }
0x89: {  	[sflag:s3] =	ssyncset.done $0x0  }
0x8a: {  	[sflag:s3] =	ssyncadd.s32 $0xFFFF8000  }
0x8b: {  	[hbm4b:s22+s2] =	stream.linear.scatter [tilespmem:s11], [sflag:$0x3], $0x8000, $0x38;
	[tilespmem:$0x10100] =	vst v63  }
0x8c: {  	_ =	swait.ge [sflag:s3], $0x8000  }
0x8d: {  	[sflag:s3] =	ssyncset.done $0x0  }
0x8e: {  	[sflag:s3] =	ssyncadd.s32 $0xFFFF8000  }
0x8f: {  	[tilespmem:s9], [sflag:$0x1] =	stream.indirect.gather [hbm4b:s7+s8], $0x400, s23, s8, $0xb8;
	[tilespmem:$0x10100] =	vst v63  }
0x90: {  	_ = 	snop  }
0x91: {  	[tilespmem:s11], [sflag:$0x2] =	stream.indirect.gather [hbm4b:s10+s8], $0x400, s24, s8, $0xb8;
	[tilespmem:$0x10100] =	vst v63  }
0x92: {  	_ =	swait.ge [sflag:s12], $0x8000  }
0x93: {  	[sflag:s12] =	ssyncset.done $0x0  }
0x94: {  	[sflag:s12] =	ssyncadd.s32 $0xFFFF8000  }
0x95: {  	_ =	swait.ge [sflag:s13], $0x8000  }
0x96: {  	[sflag:s13] =	ssyncset.done $0x0  }
0x97: {  	[sflag:s13] =	ssyncadd.s32 $0xFFFF8000  }
0x98: {  	[hbm4b:s25+s2] =	stream.linear.scatter [tilespmem:s9], [sflag:$0x3], $0x8000, $0x38;
	[tilespmem:$0x10100] =	vst v63  }
0x99: {  	_ =	swait.ge [sflag:s3], $0x8000  }
.Ltmp1:
0x9a: {  	[sflag:s3] =	ssyncset.done $0x0;
	(pc) =	sbr.rel @p0 .LBB2_1-.Ltmp1, $4  }
0x9b: {  	[sflag:s3] =	ssyncadd.s32 $0xFFFF8000  }
0x9c: {  	[hbm4b:s26+s2] =	stream.linear.scatter [tilespmem:s11], [sflag:$0x3], $0x8000, $0x38;
	[tilespmem:$0x10100] =	vst v63  }
0x9d: {  	_ =	swait.ge [sflag:s3], $0x8000  }
0x9e: {  	[sflag:s3] =	ssyncset.done $0x0  }
.LBB2_2:
0x9f: {  	[sflag:s3] =	ssyncadd.s32 $0xFFFF8000  }
0xa0: {  	_ =	sfence.sel $0x180000  }
0xa1: {  	[bflag:$0x0] =	sbarrier.arrive $0xFFFF  }
0xa2: {  	p0 =	sne.s32 s0, $0x0;
	_ =	strace $0x90000047  }
0xa3: {  	s0 =	sadd.s32 @!p0 $0x100000, s1;
	[bflag:$0x2] =	sbarrier.arrive $0xFFFF  }
0xa4: {  	[sflag:s0] =	ssyncadd.tile.s32 @!p0 $0x1;
	_ =	shalt  }
.Lfunc_end2:
_tile_overlayer_lowered:
.L_overlay_start_2:
0xa5: {  	(tag) =	ssettag $0x2  }
0xa6: {  	s0 =	rddreg [dreg:$0x0];
	s2 =	stileid.u32  }
0xa7: {  	s1 =	rddreg [dreg:$0x1];
	p0 =	sne.s32 s2, $0x0  }
0xa8: {  	s3 =	rddreg [dreg:$0x2];
	[bflag:$0x3] =	sbarrier.arrive $0xFFFF;
	s2 =	simm.s32 @!p0 $0x1C03  }
0xa9: {  	[timem:s3], [sflag:s2] =	dma.local @!p0 [hbm:s0], s1  }
0xaa: {  	s0 =	simm.s32 @!p0 $0x3  }
0xab: {  	_ =	swait.ge @!p0 [sflag:s0], s1  }
0xac: {  	s1 =	ssub.s32 @!p0 $0x0, s1;
	[sflag:s0] =	ssyncset.done @!p0 $0x0  }
0xad: {  	[sflag:s0] =	ssyncadd.s32 @!p0 s1  }
0xae: {  	[bflag:$0x3] =	sbarrier.arrive $0xFFFF  }
0xaf: {  	_ =	shalt  }

</sc_bundles>
